<compile_context>
chip_gen: v7x
topology: tpu7x:2x2x1
jax: 0.10.2.dev20260603
libtpu: 0.0.44.dev20260713+nightly
codegen_flags: <defaults>
</compile_context>

<pallas_src>
import functools

import jax
import jax.numpy as jnp
from jax import lax
from jax.experimental import pallas as pl
from jax.experimental.pallas import tpu as pltpu
from jax.experimental.pallas import tpu_sc as plsc

N = 10000
E = 320000
D = 128
NC = 2
NS = 16
NW = NC * NS
EPW = E // NW
K = 125
CH = EPW // K
RPT = N // NS

_mesh = plsc.VectorSubcoreMesh(core_axis_name="c", subcore_axis_name="s")


DW = 8


@functools.partial(
    pl.kernel,
    out_type=(
        jax.ShapeDtypeStruct((NC, NS, RPT, DW), jnp.float32),
        jax.ShapeDtypeStruct((NC, NS, RPT, DW), jnp.float32),
    ),
    mesh=_mesh,
    compiler_params=pltpu.CompilerParams(use_tc_tiling_on_sc=False),
    scratch_types=[
        pltpu.VMEM((CH, K), jnp.int32),
        pltpu.VMEM((CH, K), jnp.int32),
        pltpu.VMEM((K, DW), jnp.float32),
        pltpu.VMEM_SHARED((N, DW), jnp.float32),
        pltpu.VMEM_SHARED((N, DW), jnp.float32),
    ],
)
def _deg(src_hbm, dst_hbm, ones_hbm, zeros_hbm, dout_hbm, din_hbm,
         src_v, dst_v, ones_v, acc_out, acc_in):
    cid = lax.axis_index("c")
    sid = lax.axis_index("s")
    wid = cid * NS + sid
    base = sid * RPT
    pltpu.sync_copy(zeros_hbm, acc_out.at[pl.ds(base, RPT)])
    pltpu.sync_copy(zeros_hbm, acc_in.at[pl.ds(base, RPT)])
    pltpu.sync_copy(src_hbm.at[wid], src_v)
    pltpu.sync_copy(dst_hbm.at[wid], dst_v)
    pltpu.sync_copy(ones_hbm, ones_v)
    plsc.subcore_barrier()

    @pl.loop(0, CH)
    def _chunk(j):
        pltpu.sync_copy(ones_v, acc_out.at[src_v.at[j]], add=True)
        pltpu.sync_copy(ones_v, acc_in.at[dst_v.at[j]], add=True)

    plsc.subcore_barrier()
    pltpu.sync_copy(acc_out.at[pl.ds(base, RPT)], dout_hbm.at[cid, sid])
    pltpu.sync_copy(acc_in.at[pl.ds(base, RPT)], din_hbm.at[cid, sid])


G = 40


@functools.partial(
    pl.kernel,
    out_type=jax.ShapeDtypeStruct((NC, NS, RPT, D), jnp.float32),
    mesh=_mesh,
    scratch_types=[
        pltpu.VMEM((G, K), jnp.int32),
        pltpu.VMEM((G, K), jnp.int32),
        pltpu.VMEM((K, D), jnp.float32),
        pltpu.VMEM((K, D), jnp.float32),
        pltpu.VMEM_SHARED((N, D), jnp.float32),
        pltpu.SemaphoreType.DMA,
        pltpu.SemaphoreType.DMA,
    ],
)
def _spmm(feat_hbm, src_hbm, dst_hbm, zeros_hbm, agg_hbm,
          src_v, dst_v, rows0, rows1, acc, gsem0, gsem1):
    cid = lax.axis_index("c")
    sid = lax.axis_index("s")
    wid = cid * NS + sid
    base = sid * RPT
    pltpu.sync_copy(zeros_hbm, acc.at[pl.ds(base, RPT)])
    plsc.subcore_barrier()

    @pl.loop(0, CH // G)
    def _grp(g):
        pltpu.sync_copy(src_hbm.at[wid, pl.ds(g * G, G)], src_v)
        pltpu.sync_copy(dst_hbm.at[wid, pl.ds(g * G, G)], dst_v)
        pltpu.async_copy(feat_hbm.at[src_v.at[0]], rows0, gsem0)
        pltpu.async_copy(feat_hbm.at[src_v.at[1]], rows1, gsem1)

        @pl.loop(0, G, step=2)
        def _chunk(j):
            pltpu.make_async_copy(feat_hbm.at[src_v.at[j]], rows0, gsem0).wait()
            pltpu.sync_copy(rows0, acc.at[dst_v.at[j]], add=True)

            @pl.when(j + 2 < G)
            def _():
                pltpu.async_copy(feat_hbm.at[src_v.at[j + 2]], rows0, gsem0)

            pltpu.make_async_copy(feat_hbm.at[src_v.at[j + 1]], rows1, gsem1).wait()
            pltpu.sync_copy(rows1, acc.at[dst_v.at[j + 1]], add=True)

            @pl.when(j + 3 < G)
            def _():
                pltpu.async_copy(feat_hbm.at[src_v.at[j + 3]], rows1, gsem1)

    plsc.subcore_barrier()
    pltpu.sync_copy(acc.at[pl.ds(base, RPT)], agg_hbm.at[cid, sid])


def _proj_body(x_ref, w_ref, b_ref, deg_ref, o_ref):
    feat = lax.dot_general(x_ref[...], w_ref[...], (((1,), (1,)), ((), ())),
                           preferred_element_type=jnp.float32) + b_ref[...]
    deg = deg_ref[0, :, 0:1] + deg_ref[1, :, 0:1]
    o_ref[...] = feat * lax.rsqrt(jnp.maximum(deg, 1.0))


_proj = pl.pallas_call(
    _proj_body,
    out_shape=jax.ShapeDtypeStruct((N, D), jnp.float32),
)


def _finish_body(a_ref, deg_ref, w_ref, b_ref, g_ref, be_ref, o_ref):
    deg = deg_ref[0, :, 0:1] + deg_ref[1, :, 0:1]
    agg = (a_ref[0] + a_ref[1]) * lax.rsqrt(jnp.maximum(deg, 1.0))
    h = jnp.dot(agg, w_ref[...], preferred_element_type=jnp.float32) + b_ref[...]
    mean = jnp.mean(h, axis=0, keepdims=True)
    c = h - mean
    var = jnp.mean(c * c, axis=0, keepdims=True)
    hn = c * lax.rsqrt(var + 1e-5) * g_ref[...] + be_ref[...]
    o_ref[...] = jnp.where(hn >= 0, hn, 0.01 * hn)


_finish = pl.pallas_call(
    _finish_body,
    out_shape=jax.ShapeDtypeStruct((N, D), jnp.float32),
)


def kernel(x_src, edge_index, W_proj, b_proj, W_conv, b_conv, bn_gamma, bn_beta):
    src = edge_index[0].reshape(NW, CH, K)
    dst = edge_index[1].reshape(NW, CH, K)
    ones = jnp.ones((K, DW), jnp.float32)
    zeros16 = jnp.zeros((RPT, DW), jnp.float32)
    zeros = jnp.zeros((RPT, D), jnp.float32)
    dout, din = _deg(src, dst, ones, zeros16)
    feat = _proj(x_src, W_proj, b_proj.reshape(1, D), dout.reshape(NC, N, DW))
    agg = _spmm(feat, src, dst, zeros)
    return _finish(agg.reshape(NC, N, D), din.reshape(NC, N, DW), W_conv,
                   b_conv.reshape(1, D), bn_gamma.reshape(1, D),
                   bn_beta.reshape(1, D))

# --- scband reference (transcript-rebuilt; emitter-appended) ---
"""Pipeline reference for scband-hgconv-83811991814299 (READ-ONLY COPY).

The authoritative reference and input builder live on the scoring server;
editing this copy changes nothing except your own understanding.
"""

import jax, jax.numpy as jnp
import numpy as np

N_NODES = 10000
N_EDGES = 320000
D_IN = 128
D_HID = 128


def setup_inputs(seed: int = 0) -> dict:
    key = jax.random.key(seed)
    ks = jax.random.split(key, 8)
    x_src = jax.random.normal(ks[0], (N_NODES, D_HID), dtype=jnp.float32)
    edge_index = jax.random.randint(ks[1], (2, N_EDGES), 0, N_NODES, dtype=jnp.int32)
    # linear_proj1: Linear(hidden_channels -> in_channels), xavier_uniform weight
    lim1 = float(np.sqrt(6.0 / (D_HID + D_IN)))
    W_proj = jax.random.uniform(ks[2], (D_IN, D_HID), minval=-lim1, maxval=lim1, dtype=jnp.float32)
    b_proj = jnp.zeros((D_IN,), dtype=jnp.float32)
    # GraphConv weight: (in_channels -> hidden_channels), glorot
    lim2 = float(np.sqrt(6.0 / (D_IN + D_HID)))
    W_conv = jax.random.uniform(ks[3], (D_IN, D_HID), minval=-lim2, maxval=lim2, dtype=jnp.float32)
    b_conv = jnp.zeros((D_HID,), dtype=jnp.float32)
    bn_gamma = jnp.ones((D_HID,), dtype=jnp.float32)
    bn_beta = jnp.zeros((D_HID,), dtype=jnp.float32)
    return {"x_src": x_src, "edge_index": edge_index, "W_proj": W_proj, "b_proj": b_proj,
            "W_conv": W_conv, "b_conv": b_conv, "bn_gamma": bn_gamma, "bn_beta": bn_beta}


def reference(x_src, edge_index, W_proj, b_proj, W_conv, b_conv, bn_gamma, bn_beta):
    # apply_mapping=True path: project src features hidden -> in
    feat = x_src @ W_proj.T + b_proj  # [N, D_IN]
    src = edge_index[0]
    dst = edge_index[1]
    N = x_src.shape[0]
    ones = jnp.ones((edge_index.shape[1],), dtype=jnp.float32)
    # DGL GraphConv norm='both': symmetric degree normalization
    deg_out = jax.ops.segment_sum(ones, src, num_segments=N)
    deg_in = jax.ops.segment_sum(ones, dst, num_segments=N)
    feat = feat * jax.lax.rsqrt(jnp.clip(deg_out, 1.0, None))[:, None]
    msg = jnp.take(feat, src, axis=0)  # gather [E, D_IN]
    agg = jax.ops.segment_sum(msg, dst, num_segments=N)  # scatter-add [N, D_IN]
    agg = agg * jax.lax.rsqrt(jnp.clip(deg_in, 1.0, None))[:, None]
    H = agg @ W_conv + b_conv  # [N, D_HID]
    # BatchNorm1d (training-mode batch statistics)
    mean = jnp.mean(H, axis=0)
    var = jnp.var(H, axis=0)
    Hn = (H - mean) * jax.lax.rsqrt(var + 1e-5) * bn_gamma + bn_beta
    # LeakyReLU default negative_slope=0.01
    return jnp.where(Hn >= 0, Hn, 0.01 * Hn)

if __name__ == "__main__":
    import jax
    _d = setup_inputs()
    print(jax.jit(kernel)(*tuple(_d.values())))

</pallas_src>

<mosaic_0001>
#map = affine_map<(d0, d1) -> (0, 0, 0)>
#map1 = affine_map<(d0, d1) -> (0, 0)>
#map2 = affine_map<(d0, d1) -> (0, 0, 0, 0)>
module attributes {stable_mosaic.version = 14 : i64} {
  func.func @_deg(%arg0: i32, %arg1: i32, %arg2: memref<32x80x125xi32, #tpu.memory_space<hbm>>, %arg3: memref<32x80x125xi32, #tpu.memory_space<hbm>>, %arg4: memref<125x8xf32, #tpu.memory_space<hbm>>, %arg5: memref<625x8xf32, #tpu.memory_space<hbm>>, %arg6: memref<2x16x625x8xf32, #tpu.memory_space<hbm>>, %arg7: memref<2x16x625x8xf32, #tpu.memory_space<hbm>>, %arg8: memref<80x125xi32, #tpu.memory_space<vmem>>, %arg9: memref<80x125xi32, #tpu.memory_space<vmem>>, %arg10: memref<125x8xf32, #tpu.memory_space<vmem>>, %arg11: memref<10000x8xf32, #tpu.memory_space<vmem_shared>>, %arg12: memref<10000x8xf32, #tpu.memory_space<vmem_shared>>) attributes {dimension_semantics = [#tpu.dimension_semantics<core_parallel>, #tpu.dimension_semantics<subcore_parallel>], iteration_bounds = array<i64: 2, 16>, scalar_prefetch = 0 : i64, scratch_operands = 5 : i64, tpu.core_type = #tpu.core_type<sc_vector_subcore>, window_params = [{transform_indices = #map}, {transform_indices = #map}, {transform_indices = #map1}, {transform_indices = #map1}, {transform_indices = #map2}, {transform_indices = #map2}]} {
    %mul3A = arith.constant 16 : i32
    %mul3A_0 = arith.muli %arg0, %mul3A : i32
    %add3A = arith.addi %mul3A_0, %arg1 : i32
    %mul3A_1 = arith.constant 625 : i32
    %mul3A_2 = arith.muli %arg1, %mul3A_1 : i32
    "tpu.region"() ({
      %run_scoped3A = tpu.sem_alloc : memref<!tpu.dma_semaphore, #tpu.memory_space<semaphore_mem>>
      %dma_start3A = arith.constant 0 : i32
      %dma_start3A_8 = tpu.memref_slice %arg11[%mul3A_2, %dma_start3A] : memref<10000x8xf32, #tpu.memory_space<vmem_shared>> -> memref<625x8xf32, #tpu.memory_space<vmem_shared>>
      tpu.enqueue_dma source(%arg5 : memref<625x8xf32, #tpu.memory_space<hbm>>) target(%dma_start3A_8 : memref<625x8xf32, #tpu.memory_space<vmem_shared>>) target_semaphore(%run_scoped3A : memref<!tpu.dma_semaphore, #tpu.memory_space<semaphore_mem>>)
      %dma_wait3A = arith.constant 0 : i32
      %dma_wait3A_9 = tpu.memref_slice %arg11[%mul3A_2, %dma_wait3A] : memref<10000x8xf32, #tpu.memory_space<vmem_shared>> -> memref<625x8xf32, #tpu.memory_space<vmem_shared>>
      tpu.wait_dma2 semaphore(%run_scoped3A : memref<!tpu.dma_semaphore, #tpu.memory_space<semaphore_mem>>) src(%arg5 : memref<625x8xf32, #tpu.memory_space<hbm>>) dst(%dma_wait3A_9 : memref<625x8xf32, #tpu.memory_space<vmem_shared>>)
      tpu.yield
    }) : () -> ()
    "tpu.region"() ({
      %run_scoped3A = tpu.sem_alloc : memref<!tpu.dma_semaphore, #tpu.memory_space<semaphore_mem>>
      %dma_start3A = arith.constant 0 : i32
      %dma_start3A_8 = tpu.memref_slice %arg12[%mul3A_2, %dma_start3A] : memref<10000x8xf32, #tpu.memory_space<vmem_shared>> -> memref<625x8xf32, #tpu.memory_space<vmem_shared>>
      tpu.enqueue_dma source(%arg5 : memref<625x8xf32, #tpu.memory_space<hbm>>) target(%dma_start3A_8 : memref<625x8xf32, #tpu.memory_space<vmem_shared>>) target_semaphore(%run_scoped3A : memref<!tpu.dma_semaphore, #tpu.memory_space<semaphore_mem>>)
      %dma_wait3A = arith.constant 0 : i32
      %dma_wait3A_9 = tpu.memref_slice %arg12[%mul3A_2, %dma_wait3A] : memref<10000x8xf32, #tpu.memory_space<vmem_shared>> -> memref<625x8xf32, #tpu.memory_space<vmem_shared>>
      tpu.wait_dma2 semaphore(%run_scoped3A : memref<!tpu.dma_semaphore, #tpu.memory_space<semaphore_mem>>) src(%arg5 : memref<625x8xf32, #tpu.memory_space<hbm>>) dst(%dma_wait3A_9 : memref<625x8xf32, #tpu.memory_space<vmem_shared>>)
      tpu.yield
    }) : () -> ()
    "tpu.region"() ({
      %run_scoped3A = tpu.sem_alloc : memref<!tpu.dma_semaphore, #tpu.memory_space<semaphore_mem>>
      %dma_start3A = arith.constant 0 : i32
      %dma_start3A_8 = arith.constant 0 : i32
      %dma_start3A_9 = tpu.memref_slice %arg2[%add3A, %dma_start3A, %dma_start3A_8] : memref<32x80x125xi32, #tpu.memory_space<hbm>> -> memref<1x80x125xi32, #tpu.memory_space<hbm>>
      %dma_start3A_10 = tpu.memref_squeeze %dma_start3A_9 : memref<1x80x125xi32, #tpu.memory_space<hbm>> -> memref<80x125xi32, #tpu.memory_space<hbm>>
      %dma_start3A_11 = arith.constant 0 : i32
      %dma_start3A_12 = arith.constant 0 : i32
      %dma_start3A_13 = tpu.memref_slice %arg2[%add3A, %dma_start3A_11, %dma_start3A_12] : memref<32x80x125xi32, #tpu.memory_space<hbm>> -> memref<1x80x125xi32, #tpu.memory_space<hbm>>
      %dma_start3A_14 = tpu.memref_squeeze %dma_start3A_13 : memref<1x80x125xi32, #tpu.memory_space<hbm>> -> memref<80x125xi32, #tpu.memory_space<hbm>>
      tpu.enqueue_dma source(%dma_start3A_14 : memref<80x125xi32, #tpu.memory_space<hbm>>) target(%arg8 : memref<80x125xi32, #tpu.memory_space<vmem>>) target_semaphore(%run_scoped3A : memref<!tpu.dma_semaphore, #tpu.memory_space<semaphore_mem>>)
      %dma_wait3A = arith.constant 0 : i32
      %dma_wait3A_15 = arith.constant 0 : i32
      %dma_wait3A_16 = tpu.memref_slice %arg2[%add3A, %dma_wait3A, %dma_wait3A_15] : memref<32x80x125xi32, #tpu.memory_space<hbm>> -> memref<1x80x125xi32, #tpu.memory_space<hbm>>
      %dma_wait3A_17 = tpu.memref_squeeze %dma_wait3A_16 : memref<1x80x125xi32, #tpu.memory_space<hbm>> -> memref<80x125xi32, #tpu.memory_space<hbm>>
      %dma_wait3A_18 = arith.constant 0 : i32
      %dma_wait3A_19 = arith.constant 0 : i32
      %dma_wait3A_20 = tpu.memref_slice %arg2[%add3A, %dma_wait3A_18, %dma_wait3A_19] : memref<32x80x125xi32, #tpu.memory_space<hbm>> -> memref<1x80x125xi32, #tpu.memory_space<hbm>>
      %dma_wait3A_21 = tpu.memref_squeeze %dma_wait3A_20 : memref<1x80x125xi32, #tpu.memory_space<hbm>> -> memref<80x125xi32, #tpu.memory_space<hbm>>
      tpu.wait_dma2 semaphore(%run_scoped3A : memref<!tpu.dma_semaphore, #tpu.memory_space<semaphore_mem>>) src(%dma_wait3A_21 : memref<80x125xi32, #tpu.memory_space<hbm>>) dst(%arg8 : memref<80x125xi32, #tpu.memory_space<vmem>>)
      tpu.yield
    }) : () -> ()
    "tpu.region"() ({
      %run_scoped3A = tpu.sem_alloc : memref<!tpu.dma_semaphore, #tpu.memory_space<semaphore_mem>>
      %dma_start3A = arith.constant 0 : i32
      %dma_start3A_8 = arith.constant 0 : i32
      %dma_start3A_9 = tpu.memref_slice %arg3[%add3A, %dma_start3A, %dma_start3A_8] : memref<32x80x125xi32, #tpu.memory_space<hbm>> -> memref<1x80x125xi32, #tpu.memory_space<hbm>>
      %dma_start3A_10 = tpu.memref_squeeze %dma_start3A_9 : memref<1x80x125xi32, #tpu.memory_space<hbm>> -> memref<80x125xi32, #tpu.memory_space<hbm>>
      %dma_start3A_11 = arith.constant 0 : i32
      %dma_start3A_12 = arith.constant 0 : i32
      %dma_start3A_13 = tpu.memref_slice %arg3[%add3A, %dma_start3A_11, %dma_start3A_12] : memref<32x80x125xi32, #tpu.memory_space<hbm>> -> memref<1x80x125xi32, #tpu.memory_space<hbm>>
      %dma_start3A_14 = tpu.memref_squeeze %dma_start3A_13 : memref<1x80x125xi32, #tpu.memory_space<hbm>> -> memref<80x125xi32, #tpu.memory_space<hbm>>
      tpu.enqueue_dma source(%dma_start3A_14 : memref<80x125xi32, #tpu.memory_space<hbm>>) target(%arg9 : memref<80x125xi32, #tpu.memory_space<vmem>>) target_semaphore(%run_scoped3A : memref<!tpu.dma_semaphore, #tpu.memory_space<semaphore_mem>>)
      %dma_wait3A = arith.constant 0 : i32
      %dma_wait3A_15 = arith.constant 0 : i32
      %dma_wait3A_16 = tpu.memref_slice %arg3[%add3A, %dma_wait3A, %dma_wait3A_15] : memref<32x80x125xi32, #tpu.memory_space<hbm>> -> memref<1x80x125xi32, #tpu.memory_space<hbm>>
      %dma_wait3A_17 = tpu.memref_squeeze %dma_wait3A_16 : memref<1x80x125xi32, #tpu.memory_space<hbm>> -> memref<80x125xi32, #tpu.memory_space<hbm>>
      %dma_wait3A_18 = arith.constant 0 : i32
      %dma_wait3A_19 = arith.constant 0 : i32
      %dma_wait3A_20 = tpu.memref_slice %arg3[%add3A, %dma_wait3A_18, %dma_wait3A_19] : memref<32x80x125xi32, #tpu.memory_space<hbm>> -> memref<1x80x125xi32, #tpu.memory_space<hbm>>
      %dma_wait3A_21 = tpu.memref_squeeze %dma_wait3A_20 : memref<1x80x125xi32, #tpu.memory_space<hbm>> -> memref<80x125xi32, #tpu.memory_space<hbm>>
      tpu.wait_dma2 semaphore(%run_scoped3A : memref<!tpu.dma_semaphore, #tpu.memory_space<semaphore_mem>>) src(%dma_wait3A_21 : memref<80x125xi32, #tpu.memory_space<hbm>>) dst(%arg9 : memref<80x125xi32, #tpu.memory_space<vmem>>)
      tpu.yield
    }) : () -> ()
    "tpu.region"() ({
      %run_scoped3A = tpu.sem_alloc : memref<!tpu.dma_semaphore, #tpu.memory_space<semaphore_mem>>
      tpu.enqueue_dma source(%arg4 : memref<125x8xf32, #tpu.memory_space<hbm>>) target(%arg10 : memref<125x8xf32, #tpu.memory_space<vmem>>) target_semaphore(%run_scoped3A : memref<!tpu.dma_semaphore, #tpu.memory_space<semaphore_mem>>)
      tpu.wait_dma2 semaphore(%run_scoped3A : memref<!tpu.dma_semaphore, #tpu.memory_space<semaphore_mem>>) src(%arg4 : memref<125x8xf32, #tpu.memory_space<hbm>>) dst(%arg10 : memref<125x8xf32, #tpu.memory_space<vmem>>)
      tpu.yield
    }) : () -> ()
    %barrier3A = arith.constant 0 : index
    tpu.barrier barrier_id(%barrier3A)
    %scan3A = arith.constant 0 : i32
    %scan3A_3 = arith.constant 80 : i32
    %scan3A_4 = arith.addi %scan3A, %scan3A_3 : i32
    %scan3A_5 = arith.constant 1 : i32
    scf.for %scan3A_8 = %scan3A to %scan3A_4 step %scan3A_5  : i32 {
      %mul3A_9 = arith.constant 1 : i32
      %mul3A_10 = arith.muli %scan3A_8, %mul3A_9 : i32
      %add3A_11 = arith.constant 0 : i32
      %add3A_12 = arith.addi %add3A_11, %mul3A_10 : i32
      "tpu.region"() ({
        %run_scoped3A = tpu.sem_alloc : memref<!tpu.dma_semaphore, #tpu.memory_space<semaphore_mem>>
        %dma_start3A = arith.constant 0 : i32
        %dma_start3A_13 = tpu.memref_slice %arg8[%add3A_12, %dma_start3A] : memref<80x125xi32, #tpu.memory_space<vmem>> -> memref<1x125xi32, #tpu.memory_space<vmem>>
        %dma_start3A_14 = tpu.memref_squeeze %dma_start3A_13 : memref<1x125xi32, #tpu.memory_space<vmem>> -> memref<125xi32, #tpu.memory_space<vmem>>
        %dma_start3A_15 = arith.constant 0 : i32
        %dma_start3A_16 = arith.constant 0 : i32
        %dma_start3A_17 = tpu.memref_slice %arg11[%dma_start3A_15, %dma_start3A_16] : memref<10000x8xf32, #tpu.memory_space<vmem_shared>> -> memref<10000x8xf32, #tpu.memory_space<vmem_shared>>
        tpu.enqueue_indirect_dma source(%arg10 : memref<125x8xf32, #tpu.memory_space<vmem>>) target(%dma_start3A_17 : memref<10000x8xf32, #tpu.memory_space<vmem_shared>>) offsets(%dma_start3A_14 : memref<125xi32, #tpu.memory_space<vmem>>) semaphore(%run_scoped3A : memref<!tpu.dma_semaphore, #tpu.memory_space<semaphore_mem>>) {add = true}
        %dma_wait3A = arith.constant 0 : i32
        %dma_wait3A_18 = tpu.memref_slice %arg8[%add3A_12, %dma_wait3A] : memref<80x125xi32, #tpu.memory_space<vmem>> -> memref<1x125xi32, #tpu.memory_space<vmem>>
        %dma_wait3A_19 = tpu.memref_squeeze %dma_wait3A_18 : memref<1x125xi32, #tpu.memory_space<vmem>> -> memref<125xi32, #tpu.memory_space<vmem>>
        %dma_wait3A_20 = arith.constant 0 : i32
        %dma_wait3A_21 = arith.constant 0 : i32
        %dma_wait3A_22 = tpu.memref_slice %arg11[%dma_wait3A_20, %dma_wait3A_21] : memref<10000x8xf32, #tpu.memory_space<vmem_shared>> -> memref<10000x8xf32, #tpu.memory_space<vmem_shared>>
        tpu.wait_indirect_dma semaphore(%run_scoped3A : memref<!tpu.dma_semaphore, #tpu.memory_space<semaphore_mem>>) src(%arg10 : memref<125x8xf32, #tpu.memory_space<vmem>>) dst(%dma_wait3A_22 : memref<10000x8xf32, #tpu.memory_space<vmem_shared>>)
        tpu.yield
      }) : () -> ()
      "tpu.region"() ({
        %run_scoped3A = tpu.sem_alloc : memref<!tpu.dma_semaphore, #tpu.memory_space<semaphore_mem>>
        %dma_start3A = arith.constant 0 : i32
        %dma_start3A_13 = tpu.memref_slice %arg9[%add3A_12, %dma_start3A] : memref<80x125xi32, #tpu.memory_space<vmem>> -> memref<1x125xi32, #tpu.memory_space<vmem>>
        %dma_start3A_14 = tpu.memref_squeeze %dma_start3A_13 : memref<1x125xi32, #tpu.memory_space<vmem>> -> memref<125xi32, #tpu.memory_space<vmem>>
        %dma_start3A_15 = arith.constant 0 : i32
        %dma_start3A_16 = arith.constant 0 : i32
        %dma_start3A_17 = tpu.memref_slice %arg12[%dma_start3A_15, %dma_start3A_16] : memref<10000x8xf32, #tpu.memory_space<vmem_shared>> -> memref<10000x8xf32, #tpu.memory_space<vmem_shared>>
        tpu.enqueue_indirect_dma source(%arg10 : memref<125x8xf32, #tpu.memory_space<vmem>>) target(%dma_start3A_17 : memref<10000x8xf32, #tpu.memory_space<vmem_shared>>) offsets(%dma_start3A_14 : memref<125xi32, #tpu.memory_space<vmem>>) semaphore(%run_scoped3A : memref<!tpu.dma_semaphore, #tpu.memory_space<semaphore_mem>>) {add = true}
        %dma_wait3A = arith.constant 0 : i32
        %dma_wait3A_18 = tpu.memref_slice %arg9[%add3A_12, %dma_wait3A] : memref<80x125xi32, #tpu.memory_space<vmem>> -> memref<1x125xi32, #tpu.memory_space<vmem>>
        %dma_wait3A_19 = tpu.memref_squeeze %dma_wait3A_18 : memref<1x125xi32, #tpu.memory_space<vmem>> -> memref<125xi32, #tpu.memory_space<vmem>>
        %dma_wait3A_20 = arith.constant 0 : i32
        %dma_wait3A_21 = arith.constant 0 : i32
        %dma_wait3A_22 = tpu.memref_slice %arg12[%dma_wait3A_20, %dma_wait3A_21] : memref<10000x8xf32, #tpu.memory_space<vmem_shared>> -> memref<10000x8xf32, #tpu.memory_space<vmem_shared>>
        tpu.wait_indirect_dma semaphore(%run_scoped3A : memref<!tpu.dma_semaphore, #tpu.memory_space<semaphore_mem>>) src(%arg10 : memref<125x8xf32, #tpu.memory_space<vmem>>) dst(%dma_wait3A_22 : memref<10000x8xf32, #tpu.memory_space<vmem_shared>>)
        tpu.yield
      }) : () -> ()
    }
    %scan3A_6 = arith.constant 80 : i32
    %barrier3A_7 = arith.constant 0 : index
    tpu.barrier barrier_id(%barrier3A_7)
    "tpu.region"() ({
      %run_scoped3A = tpu.sem_alloc : memref<!tpu.dma_semaphore, #tpu.memory_space<semaphore_mem>>
      %dma_start3A = arith.constant 0 : i32
      %dma_start3A_8 = arith.constant 0 : i32
      %dma_start3A_9 = tpu.memref_slice %arg6[%arg0, %arg1, %dma_start3A, %dma_start3A_8] : memref<2x16x625x8xf32, #tpu.memory_space<hbm>> -> memref<1x1x625x8xf32, #tpu.memory_space<hbm>>
      %dma_start3A_10 = tpu.memref_squeeze %dma_start3A_9 : memref<1x1x625x8xf32, #tpu.memory_space<hbm>> -> memref<625x8xf32, #tpu.memory_space<hbm>>
      %dma_start3A_11 = arith.constant 0 : i32
      %dma_start3A_12 = tpu.memref_slice %arg11[%mul3A_2, %dma_start3A_11] : memref<10000x8xf32, #tpu.memory_space<vmem_shared>> -> memref<625x8xf32, #tpu.memory_space<vmem_shared>>
      tpu.enqueue_dma source(%dma_start3A_12 : memref<625x8xf32, #tpu.memory_space<vmem_shared>>) target(%dma_start3A_10 : memref<625x8xf32, #tpu.memory_space<hbm>>) target_semaphore(%run_scoped3A : memref<!tpu.dma_semaphore, #tpu.memory_space<semaphore_mem>>)
      %dma_wait3A = arith.constant 0 : i32
      %dma_wait3A_13 = arith.constant 0 : i32
      %dma_wait3A_14 = tpu.memref_slice %arg6[%arg0, %arg1, %dma_wait3A, %dma_wait3A_13] : memref<2x16x625x8xf32, #tpu.memory_space<hbm>> -> memref<1x1x625x8xf32, #tpu.memory_space<hbm>>
      %dma_wait3A_15 = tpu.memref_squeeze %dma_wait3A_14 : memref<1x1x625x8xf32, #tpu.memory_space<hbm>> -> memref<625x8xf32, #tpu.memory_space<hbm>>
      %dma_wait3A_16 = arith.constant 0 : i32
      %dma_wait3A_17 = tpu.memref_slice %arg11[%mul3A_2, %dma_wait3A_16] : memref<10000x8xf32, #tpu.memory_space<vmem_shared>> -> memref<625x8xf32, #tpu.memory_space<vmem_shared>>
      tpu.wait_dma2 semaphore(%run_scoped3A : memref<!tpu.dma_semaphore, #tpu.memory_space<semaphore_mem>>) src(%dma_wait3A_17 : memref<625x8xf32, #tpu.memory_space<vmem_shared>>) dst(%dma_wait3A_15 : memref<625x8xf32, #tpu.memory_space<hbm>>)
      tpu.yield
    }) : () -> ()
    "tpu.region"() ({
      %run_scoped3A = tpu.sem_alloc : memref<!tpu.dma_semaphore, #tpu.memory_space<semaphore_mem>>
      %dma_start3A = arith.constant 0 : i32
      %dma_start3A_8 = arith.constant 0 : i32
      %dma_start3A_9 = tpu.memref_slice %arg7[%arg0, %arg1, %dma_start3A, %dma_start3A_8] : memref<2x16x625x8xf32, #tpu.memory_space<hbm>> -> memref<1x1x625x8xf32, #tpu.memory_space<hbm>>
      %dma_start3A_10 = tpu.memref_squeeze %dma_start3A_9 : memref<1x1x625x8xf32, #tpu.memory_space<hbm>> -> memref<625x8xf32, #tpu.memory_space<hbm>>
      %dma_start3A_11 = arith.constant 0 : i32
      %dma_start3A_12 = tpu.memref_slice %arg12[%mul3A_2, %dma_start3A_11] : memref<10000x8xf32, #tpu.memory_space<vmem_shared>> -> memref<625x8xf32, #tpu.memory_space<vmem_shared>>
      tpu.enqueue_dma source(%dma_start3A_12 : memref<625x8xf32, #tpu.memory_space<vmem_shared>>) target(%dma_start3A_10 : memref<625x8xf32, #tpu.memory_space<hbm>>) target_semaphore(%run_scoped3A : memref<!tpu.dma_semaphore, #tpu.memory_space<semaphore_mem>>)
      %dma_wait3A = arith.constant 0 : i32
      %dma_wait3A_13 = arith.constant 0 : i32
      %dma_wait3A_14 = tpu.memref_slice %arg7[%arg0, %arg1, %dma_wait3A, %dma_wait3A_13] : memref<2x16x625x8xf32, #tpu.memory_space<hbm>> -> memref<1x1x625x8xf32, #tpu.memory_space<hbm>>
      %dma_wait3A_15 = tpu.memref_squeeze %dma_wait3A_14 : memref<1x1x625x8xf32, #tpu.memory_space<hbm>> -> memref<625x8xf32, #tpu.memory_space<hbm>>
      %dma_wait3A_16 = arith.constant 0 : i32
      %dma_wait3A_17 = tpu.memref_slice %arg12[%mul3A_2, %dma_wait3A_16] : memref<10000x8xf32, #tpu.memory_space<vmem_shared>> -> memref<625x8xf32, #tpu.memory_space<vmem_shared>>
      tpu.wait_dma2 semaphore(%run_scoped3A : memref<!tpu.dma_semaphore, #tpu.memory_space<semaphore_mem>>) src(%dma_wait3A_17 : memref<625x8xf32, #tpu.memory_space<vmem_shared>>) dst(%dma_wait3A_15 : memref<625x8xf32, #tpu.memory_space<hbm>>)
      tpu.yield
    }) : () -> ()
    return
  }
}

#map = affine_map<(d0, d1) -> (0, 0)>
#map1 = affine_map<(d0, d1) -> (0, 0, 0)>
#map2 = affine_map<(d0, d1) -> (0, 0, 0, 0)>
module attributes {stable_mosaic.version = 14 : i64} {
  func.func @_spmm(%arg0: i32, %arg1: i32, %arg2: memref<10000x128xf32, #tpu.memory_space<hbm>>, %arg3: memref<32x80x125xi32, #tpu.memory_space<hbm>>, %arg4: memref<32x80x125xi32, #tpu.memory_space<hbm>>, %arg5: memref<625x128xf32, #tpu.memory_space<hbm>>, %arg6: memref<2x16x625x128xf32, #tpu.memory_space<hbm>>, %arg7: memref<40x125xi32, #tpu.memory_space<vmem>>, %arg8: memref<40x125xi32, #tpu.memory_space<vmem>>, %arg9: memref<125x128xf32, #tpu.memory_space<vmem>>, %arg10: memref<125x128xf32, #tpu.memory_space<vmem>>, %arg11: memref<10000x128xf32, #tpu.memory_space<vmem_shared>>, %arg12: memref<!tpu.dma_semaphore, #tpu.memory_space<semaphore_mem>>, %arg13: memref<!tpu.dma_semaphore, #tpu.memory_space<semaphore_mem>>) attributes {dimension_semantics = [#tpu.dimension_semantics<core_parallel>, #tpu.dimension_semantics<subcore_parallel>], iteration_bounds = array<i64: 2, 16>, scalar_prefetch = 0 : i64, scratch_operands = 7 : i64, tpu.core_type = #tpu.core_type<sc_vector_subcore>, window_params = [{transform_indices = #map}, {transform_indices = #map1}, {transform_indices = #map1}, {transform_indices = #map}, {transform_indices = #map2}]} {
    %mul3A = arith.constant 16 : i32
    %mul3A_0 = arith.muli %arg0, %mul3A : i32
    %add3A = arith.addi %mul3A_0, %arg1 : i32
    %mul3A_1 = arith.constant 625 : i32
    %mul3A_2 = arith.muli %arg1, %mul3A_1 : i32
    "tpu.region"() ({
      %run_scoped3A = tpu.sem_alloc : memref<!tpu.dma_semaphore, #tpu.memory_space<semaphore_mem>>
      %dma_start3A = arith.constant 0 : i32
      %dma_start3A_8 = tpu.memref_slice %arg11[%mul3A_2, %dma_start3A] : memref<10000x128xf32, #tpu.memory_space<vmem_shared>> -> memref<625x128xf32, #tpu.memory_space<vmem_shared>>
      tpu.enqueue_dma source(%arg5 : memref<625x128xf32, #tpu.memory_space<hbm>>) target(%dma_start3A_8 : memref<625x128xf32, #tpu.memory_space<vmem_shared>>) target_semaphore(%run_scoped3A : memref<!tpu.dma_semaphore, #tpu.memory_space<semaphore_mem>>)
      %dma_wait3A = arith.constant 0 : i32
      %dma_wait3A_9 = tpu.memref_slice %arg11[%mul3A_2, %dma_wait3A] : memref<10000x128xf32, #tpu.memory_space<vmem_shared>> -> memref<625x128xf32, #tpu.memory_space<vmem_shared>>
      tpu.wait_dma2 semaphore(%run_scoped3A : memref<!tpu.dma_semaphore, #tpu.memory_space<semaphore_mem>>) src(%arg5 : memref<625x128xf32, #tpu.memory_space<hbm>>) dst(%dma_wait3A_9 : memref<625x128xf32, #tpu.memory_space<vmem_shared>>)
      tpu.yield
    }) : () -> ()
    %barrier3A = arith.constant 0 : index
    tpu.barrier barrier_id(%barrier3A)
    %scan3A = arith.constant 0 : i32
    %scan3A_3 = arith.constant 2 : i32
    %scan3A_4 = arith.addi %scan3A, %scan3A_3 : i32
    %scan3A_5 = arith.constant 1 : i32
    scf.for %scan3A_8 = %scan3A to %scan3A_4 step %scan3A_5  : i32 {
      %mul3A_9 = arith.constant 1 : i32
      %mul3A_10 = arith.muli %scan3A_8, %mul3A_9 : i32
      %add3A_11 = arith.constant 0 : i32
      %add3A_12 = arith.addi %add3A_11, %mul3A_10 : i32
      %mul3A_13 = arith.constant 40 : i32
      %mul3A_14 = arith.muli %add3A_12, %mul3A_13 : i32
      "tpu.region"() ({
        %run_scoped3A = tpu.sem_alloc : memref<!tpu.dma_semaphore, #tpu.memory_space<semaphore_mem>>
        %dma_start3A_35 = arith.constant 0 : i32
        %dma_start3A_36 = tpu.memref_slice %arg3[%add3A, %mul3A_14, %dma_start3A_35] : memref<32x80x125xi32, #tpu.memory_space<hbm>> -> memref<1x40x125xi32, #tpu.memory_space<hbm>>
        %dma_start3A_37 = tpu.memref_squeeze %dma_start3A_36 : memref<1x40x125xi32, #tpu.memory_space<hbm>> -> memref<40x125xi32, #tpu.memory_space<hbm>>
        %dma_start3A_38 = arith.constant 0 : i32
        %dma_start3A_39 = tpu.memref_slice %arg3[%add3A, %mul3A_14, %dma_start3A_38] : memref<32x80x125xi32, #tpu.memory_space<hbm>> -> memref<1x40x125xi32, #tpu.memory_space<hbm>>
        %dma_start3A_40 = tpu.memref_squeeze %dma_start3A_39 : memref<1x40x125xi32, #tpu.memory_space<hbm>> -> memref<40x125xi32, #tpu.memory_space<hbm>>
        tpu.enqueue_dma source(%dma_start3A_40 : memref<40x125xi32, #tpu.memory_space<hbm>>) target(%arg7 : memref<40x125xi32, #tpu.memory_space<vmem>>) target_semaphore(%run_scoped3A : memref<!tpu.dma_semaphore, #tpu.memory_space<semaphore_mem>>)
        %dma_wait3A = arith.constant 0 : i32
        %dma_wait3A_41 = tpu.memref_slice %arg3[%add3A, %mul3A_14, %dma_wait3A] : memref<32x80x125xi32, #tpu.memory_space<hbm>> -> memref<1x40x125xi32, #tpu.memory_space<hbm>>
        %dma_wait3A_42 = tpu.memref_squeeze %dma_wait3A_41 : memref<1x40x125xi32, #tpu.memory_space<hbm>> -> memref<40x125xi32, #tpu.memory_space<hbm>>
        %dma_wait3A_43 = arith.constant 0 : i32
        %dma_wait3A_44 = tpu.memref_slice %arg3[%add3A, %mul3A_14, %dma_wait3A_43] : memref<32x80x125xi32, #tpu.memory_space<hbm>> -> memref<1x40x125xi32, #tpu.memory_space<hbm>>
        %dma_wait3A_45 = tpu.memref_squeeze %dma_wait3A_44 : memref<1x40x125xi32, #tpu.memory_space<hbm>> -> memref<40x125xi32, #tpu.memory_space<hbm>>
        tpu.wait_dma2 semaphore(%run_scoped3A : memref<!tpu.dma_semaphore, #tpu.memory_space<semaphore_mem>>) src(%dma_wait3A_45 : memref<40x125xi32, #tpu.memory_space<hbm>>) dst(%arg7 : memref<40x125xi32, #tpu.memory_space<vmem>>)
        tpu.yield
      }) : () -> ()
      %mul3A_15 = arith.constant 40 : i32
      %mul3A_16 = arith.muli %add3A_12, %mul3A_15 : i32
      "tpu.region"() ({
        %run_scoped3A = tpu.sem_alloc : memref<!tpu.dma_semaphore, #tpu.memory_space<semaphore_mem>>
        %dma_start3A_35 = arith.constant 0 : i32
        %dma_start3A_36 = tpu.memref_slice %arg4[%add3A, %mul3A_16, %dma_start3A_35] : memref<32x80x125xi32, #tpu.memory_space<hbm>> -> memref<1x40x125xi32, #tpu.memory_space<hbm>>
        %dma_start3A_37 = tpu.memref_squeeze %dma_start3A_36 : memref<1x40x125xi32, #tpu.memory_space<hbm>> -> memref<40x125xi32, #tpu.memory_space<hbm>>
        %dma_start3A_38 = arith.constant 0 : i32
        %dma_start3A_39 = tpu.memref_slice %arg4[%add3A, %mul3A_16, %dma_start3A_38] : memref<32x80x125xi32, #tpu.memory_space<hbm>> -> memref<1x40x125xi32, #tpu.memory_space<hbm>>
        %dma_start3A_40 = tpu.memref_squeeze %dma_start3A_39 : memref<1x40x125xi32, #tpu.memory_space<hbm>> -> memref<40x125xi32, #tpu.memory_space<hbm>>
        tpu.enqueue_dma source(%dma_start3A_40 : memref<40x125xi32, #tpu.memory_space<hbm>>) target(%arg8 : memref<40x125xi32, #tpu.memory_space<vmem>>) target_semaphore(%run_scoped3A : memref<!tpu.dma_semaphore, #tpu.memory_space<semaphore_mem>>)
        %dma_wait3A = arith.constant 0 : i32
        %dma_wait3A_41 = tpu.memref_slice %arg4[%add3A, %mul3A_16, %dma_wait3A] : memref<32x80x125xi32, #tpu.memory_space<hbm>> -> memref<1x40x125xi32, #tpu.memory_space<hbm>>
        %dma_wait3A_42 = tpu.memref_squeeze %dma_wait3A_41 : memref<1x40x125xi32, #tpu.memory_space<hbm>> -> memref<40x125xi32, #tpu.memory_space<hbm>>
        %dma_wait3A_43 = arith.constant 0 : i32
        %dma_wait3A_44 = tpu.memref_slice %arg4[%add3A, %mul3A_16, %dma_wait3A_43] : memref<32x80x125xi32, #tpu.memory_space<hbm>> -> memref<1x40x125xi32, #tpu.memory_space<hbm>>
        %dma_wait3A_45 = tpu.memref_squeeze %dma_wait3A_44 : memref<1x40x125xi32, #tpu.memory_space<hbm>> -> memref<40x125xi32, #tpu.memory_space<hbm>>
        tpu.wait_dma2 semaphore(%run_scoped3A : memref<!tpu.dma_semaphore, #tpu.memory_space<semaphore_mem>>) src(%dma_wait3A_45 : memref<40x125xi32, #tpu.memory_space<hbm>>) dst(%arg8 : memref<40x125xi32, #tpu.memory_space<vmem>>)
        tpu.yield
      }) : () -> ()
      %dma_start3A = arith.constant 0 : i32
      %dma_start3A_17 = arith.constant 0 : i32
      %dma_start3A_18 = tpu.memref_slice %arg7[%dma_start3A, %dma_start3A_17] : memref<40x125xi32, #tpu.memory_space<vmem>> -> memref<1x125xi32, #tpu.memory_space<vmem>>
      %dma_start3A_19 = tpu.memref_squeeze %dma_start3A_18 : memref<1x125xi32, #tpu.memory_space<vmem>> -> memref<125xi32, #tpu.memory_space<vmem>>
      %dma_start3A_20 = arith.constant 0 : i32
      %dma_start3A_21 = arith.constant 0 : i32
      %dma_start3A_22 = tpu.memref_slice %arg2[%dma_start3A_20, %dma_start3A_21] : memref<10000x128xf32, #tpu.memory_space<hbm>> -> memref<10000x128xf32, #tpu.memory_space<hbm>>
      tpu.enqueue_indirect_dma source(%dma_start3A_22 : memref<10000x128xf32, #tpu.memory_space<hbm>>) target(%arg9 : memref<125x128xf32, #tpu.memory_space<vmem>>) offsets(%dma_start3A_19 : memref<125xi32, #tpu.memory_space<vmem>>) semaphore(%arg12 : memref<!tpu.dma_semaphore, #tpu.memory_space<semaphore_mem>>)
      %dma_start3A_23 = arith.constant 1 : i32
      %dma_start3A_24 = arith.constant 0 : i32
      %dma_start3A_25 = tpu.memref_slice %arg7[%dma_start3A_23, %dma_start3A_24] : memref<40x125xi32, #tpu.memory_space<vmem>> -> memref<1x125xi32, #tpu.memory_space<vmem>>
      %dma_start3A_26 = tpu.memref_squeeze %dma_start3A_25 : memref<1x125xi32, #tpu.memory_space<vmem>> -> memref<125xi32, #tpu.memory_space<vmem>>
      %dma_start3A_27 = arith.constant 0 : i32
      %dma_start3A_28 = arith.constant 0 : i32
      %dma_start3A_29 = tpu.memref_slice %arg2[%dma_start3A_27, %dma_start3A_28] : memref<10000x128xf32, #tpu.memory_space<hbm>> -> memref<10000x128xf32, #tpu.memory_space<hbm>>
      tpu.enqueue_indirect_dma source(%dma_start3A_29 : memref<10000x128xf32, #tpu.memory_space<hbm>>) target(%arg10 : memref<125x128xf32, #tpu.memory_space<vmem>>) offsets(%dma_start3A_26 : memref<125xi32, #tpu.memory_space<vmem>>) semaphore(%arg13 : memref<!tpu.dma_semaphore, #tpu.memory_space<semaphore_mem>>)
      %scan3A_30 = arith.constant 0 : i32
      %scan3A_31 = arith.constant 20 : i32
      %scan3A_32 = arith.addi %scan3A_30, %scan3A_31 : i32
      %scan3A_33 = arith.constant 1 : i32
      scf.for %scan3A_35 = %scan3A_30 to %scan3A_32 step %scan3A_33  : i32 {
        %mul3A_36 = arith.constant 2 : i32
        %mul3A_37 = arith.muli %scan3A_35, %mul3A_36 : i32
        %add3A_38 = arith.constant 0 : i32
        %add3A_39 = arith.addi %add3A_38, %mul3A_37 : i32
        %dma_wait3A = arith.constant 0 : i32
        %dma_wait3A_40 = tpu.memref_slice %arg7[%add3A_39, %dma_wait3A] : memref<40x125xi32, #tpu.memory_space<vmem>> -> memref<1x125xi32, #tpu.memory_space<vmem>>
        %dma_wait3A_41 = tpu.memref_squeeze %dma_wait3A_40 : memref<1x125xi32, #tpu.memory_space<vmem>> -> memref<125xi32, #tpu.memory_space<vmem>>
        %dma_wait3A_42 = arith.constant 0 : i32
        %dma_wait3A_43 = arith.constant 0 : i32
        %dma_wait3A_44 = tpu.memref_slice %arg2[%dma_wait3A_42, %dma_wait3A_43] : memref<10000x128xf32, #tpu.memory_space<hbm>> -> memref<10000x128xf32, #tpu.memory_space<hbm>>
        tpu.wait_indirect_dma semaphore(%arg12 : memref<!tpu.dma_semaphore, #tpu.memory_space<semaphore_mem>>) src(%dma_wait3A_44 : memref<10000x128xf32, #tpu.memory_space<hbm>>) dst(%arg9 : memref<125x128xf32, #tpu.memory_space<vmem>>)
        "tpu.region"() ({
          %run_scoped3A = tpu.sem_alloc : memref<!tpu.dma_semaphore, #tpu.memory_space<semaphore_mem>>
          %dma_start3A_66 = arith.constant 0 : i32
          %dma_start3A_67 = tpu.memref_slice %arg8[%add3A_39, %dma_start3A_66] : memref<40x125xi32, #tpu.memory_space<vmem>> -> memref<1x125xi32, #tpu.memory_space<vmem>>
          %dma_start3A_68 = tpu.memref_squeeze %dma_start3A_67 : memref<1x125xi32, #tpu.memory_space<vmem>> -> memref<125xi32, #tpu.memory_space<vmem>>
          %dma_start3A_69 = arith.constant 0 : i32
          %dma_start3A_70 = arith.constant 0 : i32
          %dma_start3A_71 = tpu.memref_slice %arg11[%dma_start3A_69, %dma_start3A_70] : memref<10000x128xf32, #tpu.memory_space<vmem_shared>> -> memref<10000x128xf32, #tpu.memory_space<vmem_shared>>
          tpu.enqueue_indirect_dma source(%arg9 : memref<125x128xf32, #tpu.memory_space<vmem>>) target(%dma_start3A_71 : memref<10000x128xf32, #tpu.memory_space<vmem_shared>>) offsets(%dma_start3A_68 : memref<125xi32, #tpu.memory_space<vmem>>) semaphore(%run_scoped3A : memref<!tpu.dma_semaphore, #tpu.memory_space<semaphore_mem>>) {add = true}
          %dma_wait3A_72 = arith.constant 0 : i32
          %dma_wait3A_73 = tpu.memref_slice %arg8[%add3A_39, %dma_wait3A_72] : memref<40x125xi32, #tpu.memory_space<vmem>> -> memref<1x125xi32, #tpu.memory_space<vmem>>
          %dma_wait3A_74 = tpu.memref_squeeze %dma_wait3A_73 : memref<1x125xi32, #tpu.memory_space<vmem>> -> memref<125xi32, #tpu.memory_space<vmem>>
          %dma_wait3A_75 = arith.constant 0 : i32
          %dma_wait3A_76 = arith.constant 0 : i32
          %dma_wait3A_77 = tpu.memref_slice %arg11[%dma_wait3A_75, %dma_wait3A_76] : memref<10000x128xf32, #tpu.memory_space<vmem_shared>> -> memref<10000x128xf32, #tpu.memory_space<vmem_shared>>
          tpu.wait_indirect_dma semaphore(%run_scoped3A : memref<!tpu.dma_semaphore, #tpu.memory_space<semaphore_mem>>) src(%arg9 : memref<125x128xf32, #tpu.memory_space<vmem>>) dst(%dma_wait3A_77 : memref<10000x128xf32, #tpu.memory_space<vmem_shared>>)
          tpu.yield
        }) : () -> ()
        %add3A_45 = arith.constant 2 : i32
        %add3A_46 = arith.addi %add3A_39, %add3A_45 : i32
        %lt3A = arith.constant 40 : i32
        %lt3A_47 = arith.cmpi slt, %add3A_46, %lt3A : i32
        %convert_element_type3A = arith.extui %lt3A_47 : i1 to i32
        %cond3A = arith.constant 0 : i32
        %cond3A_48 = arith.cmpi ne, %convert_element_type3A, %cond3A : i32
        scf.if %cond3A_48 {
          %add3A_66 = arith.constant 2 : i32
          %add3A_67 = arith.addi %add3A_39, %add3A_66 : i32
          %dma_start3A_68 = arith.constant 0 : i32
          %dma_start3A_69 = tpu.memref_slice %arg7[%add3A_67, %dma_start3A_68] : memref<40x125xi32, #tpu.memory_space<vmem>> -> memref<1x125xi32, #tpu.memory_space<vmem>>
          %dma_start3A_70 = tpu.memref_squeeze %dma_start3A_69 : memref<1x125xi32, #tpu.memory_space<vmem>> -> memref<125xi32, #tpu.memory_space<vmem>>
          %dma_start3A_71 = arith.constant 0 : i32
          %dma_start3A_72 = arith.constant 0 : i32
          %dma_start3A_73 = tpu.memref_slice %arg2[%dma_start3A_71, %dma_start3A_72] : memref<10000x128xf32, #tpu.memory_space<hbm>> -> memref<10000x128xf32, #tpu.memory_space<hbm>>
          tpu.enqueue_indirect_dma source(%dma_start3A_73 : memref<10000x128xf32, #tpu.memory_space<hbm>>) target(%arg9 : memref<125x128xf32, #tpu.memory_space<vmem>>) offsets(%dma_start3A_70 : memref<125xi32, #tpu.memory_space<vmem>>) semaphore(%arg12 : memref<!tpu.dma_semaphore, #tpu.memory_space<semaphore_mem>>)
        } else {
        }
        %add3A_49 = arith.constant 1 : i32
        %add3A_50 = arith.addi %add3A_39, %add3A_49 : i32
        %dma_wait3A_51 = arith.constant 0 : i32
        %dma_wait3A_52 = tpu.memref_slice %arg7[%add3A_50, %dma_wait3A_51] : memref<40x125xi32, #tpu.memory_space<vmem>> -> memref<1x125xi32, #tpu.memory_space<vmem>>
        %dma_wait3A_53 = tpu.memref_squeeze %dma_wait3A_52 : memref<1x125xi32, #tpu.memory_space<vmem>> -> memref<125xi32, #tpu.memory_space<vmem>>
        %dma_wait3A_54 = arith.constant 0 : i32
        %dma_wait3A_55 = arith.constant 0 : i32
        %dma_wait3A_56 = tpu.memref_slice %arg2[%dma_wait3A_54, %dma_wait3A_55] : memref<10000x128xf32, #tpu.memory_space<hbm>> -> memref<10000x128xf32, #tpu.memory_space<hbm>>
        tpu.wait_indirect_dma semaphore(%arg13 : memref<!tpu.dma_semaphore, #tpu.memory_space<semaphore_mem>>) src(%dma_wait3A_56 : memref<10000x128xf32, #tpu.memory_space<hbm>>) dst(%arg10 : memref<125x128xf32, #tpu.memory_space<vmem>>)
        %add3A_57 = arith.constant 1 : i32
        %add3A_58 = arith.addi %add3A_39, %add3A_57 : i32
        "tpu.region"() ({
          %run_scoped3A = tpu.sem_alloc : memref<!tpu.dma_semaphore, #tpu.memory_space<semaphore_mem>>
          %dma_start3A_66 = arith.constant 0 : i32
          %dma_start3A_67 = tpu.memref_slice %arg8[%add3A_58, %dma_start3A_66] : memref<40x125xi32, #tpu.memory_space<vmem>> -> memref<1x125xi32, #tpu.memory_space<vmem>>
          %dma_start3A_68 = tpu.memref_squeeze %dma_start3A_67 : memref<1x125xi32, #tpu.memory_space<vmem>> -> memref<125xi32, #tpu.memory_space<vmem>>
          %dma_start3A_69 = arith.constant 0 : i32
          %dma_start3A_70 = arith.constant 0 : i32
          %dma_start3A_71 = tpu.memref_slice %arg11[%dma_start3A_69, %dma_start3A_70] : memref<10000x128xf32, #tpu.memory_space<vmem_shared>> -> memref<10000x128xf32, #tpu.memory_space<vmem_shared>>
          tpu.enqueue_indirect_dma source(%arg10 : memref<125x128xf32, #tpu.memory_space<vmem>>) target(%dma_start3A_71 : memref<10000x128xf32, #tpu.memory_space<vmem_shared>>) offsets(%dma_start3A_68 : memref<125xi32, #tpu.memory_space<vmem>>) semaphore(%run_scoped3A : memref<!tpu.dma_semaphore, #tpu.memory_space<semaphore_mem>>) {add = true}
          %dma_wait3A_72 = arith.constant 0 : i32
          %dma_wait3A_73 = tpu.memref_slice %arg8[%add3A_58, %dma_wait3A_72] : memref<40x125xi32, #tpu.memory_space<vmem>> -> memref<1x125xi32, #tpu.memory_space<vmem>>
          %dma_wait3A_74 = tpu.memref_squeeze %dma_wait3A_73 : memref<1x125xi32, #tpu.memory_space<vmem>> -> memref<125xi32, #tpu.memory_space<vmem>>
          %dma_wait3A_75 = arith.constant 0 : i32
          %dma_wait3A_76 = arith.constant 0 : i32
          %dma_wait3A_77 = tpu.memref_slice %arg11[%dma_wait3A_75, %dma_wait3A_76] : memref<10000x128xf32, #tpu.memory_space<vmem_shared>> -> memref<10000x128xf32, #tpu.memory_space<vmem_shared>>
          tpu.wait_indirect_dma semaphore(%run_scoped3A : memref<!tpu.dma_semaphore, #tpu.memory_space<semaphore_mem>>) src(%arg10 : memref<125x128xf32, #tpu.memory_space<vmem>>) dst(%dma_wait3A_77 : memref<10000x128xf32, #tpu.memory_space<vmem_shared>>)
          tpu.yield
        }) : () -> ()
        %add3A_59 = arith.constant 3 : i32
        %add3A_60 = arith.addi %add3A_39, %add3A_59 : i32
        %lt3A_61 = arith.constant 40 : i32
        %lt3A_62 = arith.cmpi slt, %add3A_60, %lt3A_61 : i32
        %convert_element_type3A_63 = arith.extui %lt3A_62 : i1 to i32
        %cond3A_64 = arith.constant 0 : i32
        %cond3A_65 = arith.cmpi ne, %convert_element_type3A_63, %cond3A_64 : i32
        scf.if %cond3A_65 {
          %add3A_66 = arith.constant 3 : i32
          %add3A_67 = arith.addi %add3A_39, %add3A_66 : i32
          %dma_start3A_68 = arith.constant 0 : i32
          %dma_start3A_69 = tpu.memref_slice %arg7[%add3A_67, %dma_start3A_68] : memref<40x125xi32, #tpu.memory_space<vmem>> -> memref<1x125xi32, #tpu.memory_space<vmem>>
          %dma_start3A_70 = tpu.memref_squeeze %dma_start3A_69 : memref<1x125xi32, #tpu.memory_space<vmem>> -> memref<125xi32, #tpu.memory_space<vmem>>
          %dma_start3A_71 = arith.constant 0 : i32
          %dma_start3A_72 = arith.constant 0 : i32
          %dma_start3A_73 = tpu.memref_slice %arg2[%dma_start3A_71, %dma_start3A_72] : memref<10000x128xf32, #tpu.memory_space<hbm>> -> memref<10000x128xf32, #tpu.memory_space<hbm>>
          tpu.enqueue_indirect_dma source(%dma_start3A_73 : memref<10000x128xf32, #tpu.memory_space<hbm>>) target(%arg10 : memref<125x128xf32, #tpu.memory_space<vmem>>) offsets(%dma_start3A_70 : memref<125xi32, #tpu.memory_space<vmem>>) semaphore(%arg13 : memref<!tpu.dma_semaphore, #tpu.memory_space<semaphore_mem>>)
        } else {
        }
      }
      %scan3A_34 = arith.constant 20 : i32
    }
    %scan3A_6 = arith.constant 2 : i32
    %barrier3A_7 = arith.constant 0 : index
    tpu.barrier barrier_id(%barrier3A_7)
    "tpu.region"() ({
      %run_scoped3A = tpu.sem_alloc : memref<!tpu.dma_semaphore, #tpu.memory_space<semaphore_mem>>
      %dma_start3A = arith.constant 0 : i32
      %dma_start3A_8 = arith.constant 0 : i32
      %dma_start3A_9 = tpu.memref_slice %arg6[%arg0, %arg1, %dma_start3A, %dma_start3A_8] : memref<2x16x625x128xf32, #tpu.memory_space<hbm>> -> memref<1x1x625x128xf32, #tpu.memory_space<hbm>>
      %dma_start3A_10 = tpu.memref_squeeze %dma_start3A_9 : memref<1x1x625x128xf32, #tpu.memory_space<hbm>> -> memref<625x128xf32, #tpu.memory_space<hbm>>
      %dma_start3A_11 = arith.constant 0 : i32
      %dma_start3A_12 = tpu.memref_slice %arg11[%mul3A_2, %dma_start3A_11] : memref<10000x128xf32, #tpu.memory_space<vmem_shared>> -> memref<625x128xf32, #tpu.memory_space<vmem_shared>>
      tpu.enqueue_dma source(%dma_start3A_12 : memref<625x128xf32, #tpu.memory_space<vmem_shared>>) target(%dma_start3A_10 : memref<625x128xf32, #tpu.memory_space<hbm>>) target_semaphore(%run_scoped3A : memref<!tpu.dma_semaphore, #tpu.memory_space<semaphore_mem>>)
      %dma_wait3A = arith.constant 0 : i32
      %dma_wait3A_13 = arith.constant 0 : i32
      %dma_wait3A_14 = tpu.memref_slice %arg6[%arg0, %arg1, %dma_wait3A, %dma_wait3A_13] : memref<2x16x625x128xf32, #tpu.memory_space<hbm>> -> memref<1x1x625x128xf32, #tpu.memory_space<hbm>>
      %dma_wait3A_15 = tpu.memref_squeeze %dma_wait3A_14 : memref<1x1x625x128xf32, #tpu.memory_space<hbm>> -> memref<625x128xf32, #tpu.memory_space<hbm>>
      %dma_wait3A_16 = arith.constant 0 : i32
      %dma_wait3A_17 = tpu.memref_slice %arg11[%mul3A_2, %dma_wait3A_16] : memref<10000x128xf32, #tpu.memory_space<vmem_shared>> -> memref<625x128xf32, #tpu.memory_space<vmem_shared>>
      tpu.wait_dma2 semaphore(%run_scoped3A : memref<!tpu.dma_semaphore, #tpu.memory_space<semaphore_mem>>) src(%dma_wait3A_17 : memref<625x128xf32, #tpu.memory_space<vmem_shared>>) dst(%dma_wait3A_15 : memref<625x128xf32, #tpu.memory_space<hbm>>)
      tpu.yield
    }) : () -> ()
    return
  }
}

module attributes {stable_mosaic.version = 14 : i64} {
  func.func @_proj_body(%arg0: memref<10000x128xf32, #tpu.memory_space<vmem>>, %arg1: memref<128x128xf32, #tpu.memory_space<vmem>>, %arg2: memref<1x128xf32, #tpu.memory_space<vmem>>, %arg3: memref<2x10000x8xf32, #tpu.memory_space<vmem>>, %arg4: memref<10000x128xf32, #tpu.memory_space<vmem>>) attributes {dimension_semantics = [], scalar_prefetch = 0 : i64, scratch_operands = 0 : i64, tpu.core_type = #tpu.core_type<tc>} {
    %get3A = arith.constant 0 : index
    %get3A_0 = arith.constant 0 : index
    %get3A_1 = vector.load %arg0[%get3A, %get3A_0] : memref<10000x128xf32, #tpu.memory_space<vmem>>, vector<10000x128xf32>
    %get3A_2 = arith.constant 0 : index
    %get3A_3 = arith.constant 0 : index
    %get3A_4 = vector.load %arg1[%get3A_2, %get3A_3] : memref<128x128xf32, #tpu.memory_space<vmem>>, vector<128x128xf32>
    %dot_general3A = arith.constant dense<0.000000e+00> : vector<10000x128xf32>
    %dot_general3A_5 = tpu.matmul %get3A_1, %get3A_4, %dot_general3A {dimension_numbers = #tpu.dot_dimension_numbers<[1], [1], [0], [0], [0, 0, 1, 0], [], []>, transpose_lhs_hint = false} : vector<10000x128xf32>, vector<128x128xf32>, vector<10000x128xf32> -> vector<10000x128xf32>
    %get3A_6 = arith.constant 0 : index
    %get3A_7 = arith.constant 0 : index
    %get3A_8 = vector.load %arg2[%get3A_6, %get3A_7] : memref<1x128xf32, #tpu.memory_space<vmem>>, vector<1x128xf32>
    %add3A = vector.broadcast %get3A_8 : vector<1x128xf32> to vector<10000x128xf32>
    %add3A_9 = arith.addf %dot_general3A_5, %add3A : vector<10000x128xf32>
    %get3A_10 = arith.constant 0 : index
    %get3A_11 = arith.constant 0 : index
    %get3A_12 = arith.constant 0 : index
    %get3A_13 = vector.load %arg3[%get3A_10, %get3A_11, %get3A_12] : memref<2x10000x8xf32, #tpu.memory_space<vmem>>, vector<1x10000x1xf32>
    %get3A_14 = vector.shape_cast %get3A_13 : vector<1x10000x1xf32> to vector<10000x1xf32>
    %get3A_15 = arith.constant 1 : index
    %get3A_16 = arith.constant 0 : index
    %get3A_17 = arith.constant 0 : index
    %get3A_18 = vector.load %arg3[%get3A_15, %get3A_16, %get3A_17] : memref<2x10000x8xf32, #tpu.memory_space<vmem>>, vector<1x10000x1xf32>
    %get3A_19 = vector.shape_cast %get3A_18 : vector<1x10000x1xf32> to vector<10000x1xf32>
    %add3A_20 = arith.addf %get3A_14, %get3A_19 : vector<10000x1xf32>
    %max3A = arith.constant 1.000000e+00 : f32
    %max3A_21 = vector.broadcast %max3A : f32 to vector<10000x1xf32>
    %max3A_22 = arith.maximumf %add3A_20, %max3A_21 : vector<10000x1xf32>
    %rsqrt3A = math.rsqrt %max3A_22 : vector<10000x1xf32>
    %mul3A = vector.broadcast %rsqrt3A : vector<10000x1xf32> to vector<10000x128xf32>
    %mul3A_23 = arith.mulf %add3A_9, %mul3A : vector<10000x128xf32>
    %swap3A = arith.constant 0 : index
    %swap3A_24 = arith.constant 0 : index
    %swap3A_25 = vector.load %arg4[%swap3A, %swap3A_24] : memref<10000x128xf32, #tpu.memory_space<vmem>>, vector<10000x128xf32>
    tpu.vector_store %arg4[%swap3A, %swap3A_24], %mul3A_23 {strides = array<i32>} : memref<10000x128xf32, #tpu.memory_space<vmem>>, vector<10000x128xf32>,
    return
  }
}

module attributes {stable_mosaic.version = 14 : i64} {
  func.func @_finish_body(%arg0: memref<2x10000x128xf32, #tpu.memory_space<vmem>>, %arg1: memref<2x10000x8xf32, #tpu.memory_space<vmem>>, %arg2: memref<128x128xf32, #tpu.memory_space<vmem>>, %arg3: memref<1x128xf32, #tpu.memory_space<vmem>>, %arg4: memref<1x128xf32, #tpu.memory_space<vmem>>, %arg5: memref<1x128xf32, #tpu.memory_space<vmem>>, %arg6: memref<10000x128xf32, #tpu.memory_space<vmem>>) attributes {dimension_semantics = [], scalar_prefetch = 0 : i64, scratch_operands = 0 : i64, tpu.core_type = #tpu.core_type<tc>} {
    %get3A = arith.constant 0 : index
    %get3A_0 = arith.constant 0 : index
    %get3A_1 = arith.constant 0 : index
    %get3A_2 = vector.load %arg1[%get3A, %get3A_0, %get3A_1] : memref<2x10000x8xf32, #tpu.memory_space<vmem>>, vector<1x10000x1xf32>
    %get3A_3 = vector.shape_cast %get3A_2 : vector<1x10000x1xf32> to vector<10000x1xf32>
    %get3A_4 = arith.constant 1 : index
    %get3A_5 = arith.constant 0 : index
    %get3A_6 = arith.constant 0 : index
    %get3A_7 = vector.load %arg1[%get3A_4, %get3A_5, %get3A_6] : memref<2x10000x8xf32, #tpu.memory_space<vmem>>, vector<1x10000x1xf32>
    %get3A_8 = vector.shape_cast %get3A_7 : vector<1x10000x1xf32> to vector<10000x1xf32>
    %add3A = arith.addf %get3A_3, %get3A_8 : vector<10000x1xf32>
    %get3A_9 = arith.constant 0 : index
    %get3A_10 = arith.constant 0 : index
    %get3A_11 = arith.constant 0 : index
    %get3A_12 = vector.load %arg0[%get3A_9, %get3A_10, %get3A_11] : memref<2x10000x128xf32, #tpu.memory_space<vmem>>, vector<1x10000x128xf32>
    %get3A_13 = vector.shape_cast %get3A_12 : vector<1x10000x128xf32> to vector<10000x128xf32>
    %get3A_14 = arith.constant 1 : index
    %get3A_15 = arith.constant 0 : index
    %get3A_16 = arith.constant 0 : index
    %get3A_17 = vector.load %arg0[%get3A_14, %get3A_15, %get3A_16] : memref<2x10000x128xf32, #tpu.memory_space<vmem>>, vector<1x10000x128xf32>
    %get3A_18 = vector.shape_cast %get3A_17 : vector<1x10000x128xf32> to vector<10000x128xf32>
    %add3A_19 = arith.addf %get3A_13, %get3A_18 : vector<10000x128xf32>
    %max3A = arith.constant 1.000000e+00 : f32
    %max3A_20 = vector.broadcast %max3A : f32 to vector<10000x1xf32>
    %max3A_21 = arith.maximumf %add3A, %max3A_20 : vector<10000x1xf32>
    %rsqrt3A = math.rsqrt %max3A_21 : vector<10000x1xf32>
    %mul3A = vector.broadcast %rsqrt3A : vector<10000x1xf32> to vector<10000x128xf32>
    %mul3A_22 = arith.mulf %add3A_19, %mul3A : vector<10000x128xf32>
    %get3A_23 = arith.constant 0 : index
    %get3A_24 = arith.constant 0 : index
    %get3A_25 = vector.load %arg2[%get3A_23, %get3A_24] : memref<128x128xf32, #tpu.memory_space<vmem>>, vector<128x128xf32>
    %dot_general3A = arith.constant dense<0.000000e+00> : vector<10000x128xf32>
    %dot_general3A_26 = tpu.matmul %mul3A_22, %get3A_25, %dot_general3A {dimension_numbers = #tpu.dot_dimension_numbers<[1], [0], [0], [1], [0, 0, 1, 1], [], []>, transpose_lhs_hint = false} : vector<10000x128xf32>, vector<128x128xf32>, vector<10000x128xf32> -> vector<10000x128xf32>
    %get3A_27 = arith.constant 0 : index
    %get3A_28 = arith.constant 0 : index
    %get3A_29 = vector.load %arg3[%get3A_27, %get3A_28] : memref<1x128xf32, #tpu.memory_space<vmem>>, vector<1x128xf32>
    %add3A_30 = vector.broadcast %get3A_29 : vector<1x128xf32> to vector<10000x128xf32>
    %add3A_31 = arith.addf %dot_general3A_26, %add3A_30 : vector<10000x128xf32>
    %reduce_sum3A = arith.constant dense<0.000000e+00> : vector<128xf32>
    %reduce_sum3A_32 = vector.multi_reduction <add>, %add3A_31, %reduce_sum3A [0] : vector<10000x128xf32> to vector<128xf32>
    %broadcast_in_dim3A = vector.shape_cast %reduce_sum3A_32 : vector<128xf32> to vector<1x128xf32>
    %div3A = arith.constant 1.000000e+04 : f32
    %div3A_33 = vector.broadcast %div3A : f32 to vector<1x128xf32>
    %div3A_34 = arith.divf %broadcast_in_dim3A, %div3A_33 : vector<1x128xf32>
    %sub3A = vector.broadcast %div3A_34 : vector<1x128xf32> to vector<10000x128xf32>
    %sub3A_35 = arith.subf %add3A_31, %sub3A : vector<10000x128xf32>
    %mul3A_36 = arith.mulf %sub3A_35, %sub3A_35 : vector<10000x128xf32>
    %reduce_sum3A_37 = arith.constant dense<0.000000e+00> : vector<128xf32>
    %reduce_sum3A_38 = vector.multi_reduction <add>, %mul3A_36, %reduce_sum3A_37 [0] : vector<10000x128xf32> to vector<128xf32>
    %broadcast_in_dim3A_39 = vector.shape_cast %reduce_sum3A_38 : vector<128xf32> to vector<1x128xf32>
    %div3A_40 = arith.constant 1.000000e+04 : f32
    %div3A_41 = vector.broadcast %div3A_40 : f32 to vector<1x128xf32>
    %div3A_42 = arith.divf %broadcast_in_dim3A_39, %div3A_41 : vector<1x128xf32>
    %add3A_43 = arith.constant 9.99999974E-6 : f32
    %add3A_44 = vector.broadcast %add3A_43 : f32 to vector<1x128xf32>
    %add3A_45 = arith.addf %div3A_42, %add3A_44 : vector<1x128xf32>
    %rsqrt3A_46 = math.rsqrt %add3A_45 : vector<1x128xf32>
    %mul3A_47 = vector.broadcast %rsqrt3A_46 : vector<1x128xf32> to vector<10000x128xf32>
    %mul3A_48 = arith.mulf %sub3A_35, %mul3A_47 : vector<10000x128xf32>
    %get3A_49 = arith.constant 0 : index
    %get3A_50 = arith.constant 0 : index
    %get3A_51 = vector.load %arg4[%get3A_49, %get3A_50] : memref<1x128xf32, #tpu.memory_space<vmem>>, vector<1x128xf32>
    %mul3A_52 = vector.broadcast %get3A_51 : vector<1x128xf32> to vector<10000x128xf32>
    %mul3A_53 = arith.mulf %mul3A_48, %mul3A_52 : vector<10000x128xf32>
    %get3A_54 = arith.constant 0 : index
    %get3A_55 = arith.constant 0 : index
    %get3A_56 = vector.load %arg5[%get3A_54, %get3A_55] : memref<1x128xf32, #tpu.memory_space<vmem>>, vector<1x128xf32>
    %add3A_57 = vector.broadcast %get3A_56 : vector<1x128xf32> to vector<10000x128xf32>
    %add3A_58 = arith.addf %mul3A_53, %add3A_57 : vector<10000x128xf32>
    %ge3A = arith.constant 0.000000e+00 : f32
    %ge3A_59 = vector.broadcast %ge3A : f32 to vector<10000x128xf32>
    %ge3A_60 = arith.cmpf oge, %add3A_58, %ge3A_59 : vector<10000x128xf32>
    %mul3A_61 = arith.constant 0.00999999977 : f32
    %mul3A_62 = vector.broadcast %mul3A_61 : f32 to vector<10000x128xf32>
    %mul3A_63 = arith.mulf %mul3A_62, %add3A_58 : vector<10000x128xf32>
    %select_n3A = arith.select %ge3A_60, %add3A_58, %mul3A_63 : vector<10000x128xi1>, vector<10000x128xf32>
    %swap3A = arith.constant 0 : index
    %swap3A_64 = arith.constant 0 : index
    %swap3A_65 = vector.load %arg6[%swap3A, %swap3A_64] : memref<10000x128xf32, #tpu.memory_space<vmem>>, vector<10000x128xf32>
    tpu.vector_store %arg6[%swap3A, %swap3A_64], %select_n3A {strides = array<i32>} : memref<10000x128xf32, #tpu.memory_space<vmem>>, vector<10000x128xf32>,
    return
  }
}

</mosaic_0001>

<sc_bundles>
// kernel: kernel.6.cloned.1.call-start
scs
__scs_entry_jumppad:
0x0: {  	(pc) =	sbr.rel $0x88, $3  }
0x1: {  	(tag) =	ssettag $0x0;
	lr =	simm.s32 $0x1  }
0x2: {  	[smem:$0x3F99] =	sst lr;
	_ =	strace $0xD0000000  }
0x3: {  	_ = 	snop  }
0x4: {  	_ = 	snop  }
0x5: {  	_ = 	snop  }
0x6: {  	_ = 	snop  }
0x7: {  	_ = 	snop  }
__scs_overlays_trampoline_lowered:
0x8: {  	[smem:$0x3FA8] =	sst s0  }
0x9: {  	[smem:$0x3FA9] =	sst s1  }
0xa: {  	[smem:$0x3FAA] =	sst s2  }
0xb: {  	[smem:$0x3FAB] =	sst s3  }
0xc: {  	[smem:$0x3FAC] =	sst s4  }
0xd: {  	[smem:$0x3FAD] =	sst s5  }
0xe: {  	[smem:$0x3FAE] =	sst s6  }
0xf: {  	[smem:$0x3FAF] =	sst s7  }
0x10: {  	[smem:$0x3FB0] =	sst s8  }
0x11: {  	[smem:$0x3FB1] =	sst s9;
	s0 =	simm.s32 @!p0 $0x0  }
0x12: {  	s1 =	sld [smem:$0x3F97];
	s0 =	simm.s32 @p0 $0x1  }
0x13: {  	[smem:$0x3FB2] =	sst s0;
	s0 =	simm.s32 @!p1 $0x0  }
0x14: {  	s2 =	sld [smem:$0x3F96];
	s0 =	simm.s32 @p1 $0x1  }
0x15: {  	[smem:$0x3FB3] =	sst s0;
	s0 =	simm.s32 @!p2 $0x0  }
0x16: {  	s3 =	sld [smem:$0x3FDB];
	s0 =	simm.s32 @p2 $0x1  }
0x17: {  	s4 =	simm.s32 $0x1BF5;
	[smem:$0x3FB5] =	sst s0  }
0x18: {  	s0 =	sld [smem:$0x3F98];
	_ =	swait.ge [sflag:s4], $0x0  }
0x19: {  	s7 =	sld [smem:$0x3F99]  }
0x1a: {  	s8 =	sadd.s32 $0xFFFFE003, lr  }
0x1b: {  	s9 =	sadd.s32 $0xFFFFFEF7, lr;
	s5 =	simm.s32 $0xFFFFFFFF;
	p2 =	slt.u32 s8, $0xFFFFF086  }
0x1c: {  	p1 =	slt.u32 s9, $0xF7A;
	s5 =	simm.s32 @!p2 $0x0  }
0x1d: {  	s5 =	simm.s32 @p1 $0x1;
	p0 =	seq.s32 s7, s2  }
0x1e: {  	s7 =	smul.u32 @!p0 $0xF7A, s2;
	p2 =	seq.s32 @!p0 s5, $0x0  }
0x1f: {  	s9 =	smul.u32 $0xF7A, s1;
	s8 =	simm.s32 @!p0 $0x1BF5;
	p2 =	por !p2, p0  }
0x20: {  	[sflag:s8] =	ssyncset.s32 @!p0 $0xFFFFF086;
	s6 =	sadd.s32 @!p0 s3, s7;
	s7 =	simm.s32 @!p0 $0x108  }
0x21: {  	s3 =	sadd.s32 s3, s9;
	s6 =	sadd.s32 @!p0 $0x88, s6;
	s7 =	simm.s32 @p2 $0x1082  }
0x22: {  	[simem:s7], [sflag:s8] =	dma.local @!p0 [hbm:s6], $0xF7A  }
0x23: {  	s9 =	sor.u32 $0xD0000000, s2;
	s6 =	simm.s32 $0x108;
	_ =	swait.ge @!p0 [sflag:s8], $0x0  }
0x24: {  	s3 =	sadd.s32 $0x88, s3;
	s6 =	simm.s32 @!p1 $0x1082;
	[sflag:s4] =	ssyncset.s32 $0xFFFFF086  }
0x25: {  	[simem:s6], [sflag:s4] =	dma.local [hbm:s3], $0xF7A  }
0x26: {  	[smem:$0x3F99] =	sst s1;
	(tag) =	ssettag s2;
	_ =	strace s9  }
0x27: {  	s1 =	sld [smem:$0x3FA9]  }
0x28: {  	s2 =	sld [smem:$0x3FAA]  }
0x29: {  	s4 =	sld [smem:$0x3FAC]  }
0x2a: {  	p0 =	seq.s32 s5, $0x0;
	s5 =	sld [smem:$0x3FAD]  }
0x2b: {  	s6 =	sld [smem:$0x3FAE]  }
0x2c: {  	s7 =	sld [smem:$0x3FAF]  }
0x2d: {  	s3 =	simm.s32 $0x108;
	s8 =	sld [smem:$0x3FB0]  }
0x2e: {  	s3 =	simm.s32 @!p0 $0x1082;
	s9 =	sld [smem:$0x3FB1]  }
0x2f: {  	lr =	sadd.s32 s0, s3;
	s0 =	sld [smem:$0x3FA8]  }
0x30: {  	s3 =	sld [smem:$0x3FAB]  }
0x31: {  	[smem:$0x3FB4] =	sst s10  }
0x32: {  	s10 =	sld [smem:$0x3FB2];
	_ =	sdelay $0x3  }
0x33: {  	p0 =	seq.s32 s10, $0x1;
	s10 =	sld [smem:$0x3FB4];
	_ =	sdelay $0x3  }
0x34: {  	[smem:$0x3FB4] =	sst s10  }
0x35: {  	s10 =	sld [smem:$0x3FB3];
	_ =	sdelay $0x3  }
0x36: {  	p1 =	seq.s32 s10, $0x1;
	s10 =	sld [smem:$0x3FB4];
	_ =	sdelay $0x3  }
0x37: {  	[smem:$0x3FB4] =	sst s10  }
0x38: {  	s10 =	sld [smem:$0x3FB5]  }
0x39: {  	_ = 	snop;
	(pc) =	sbr.ind lr, $3  }
0x3a: {  	_ = 	snop  }
0x3b: {  	_ = 	snop  }
0x3c: {  	p2 =	seq.s32 s10, $0x1;
	s10 =	sld [smem:$0x3FB4]  }
0x3d: {  	_ =	shalt  }
0x3e: {  	_ =	shalt  }
0x3f: {  	_ =	shalt  }
0x40: {  	_ =	shalt  }
0x41: {  	_ =	shalt  }
0x42: {  	_ =	shalt  }
0x43: {  	_ =	shalt  }
0x44: {  	_ =	shalt  }
0x45: {  	_ =	shalt  }
0x46: {  	_ =	shalt  }
0x47: {  	_ =	shalt  }
0x48: {  	_ =	shalt  }
0x49: {  	_ =	shalt  }
0x4a: {  	_ =	shalt  }
0x4b: {  	_ =	shalt  }
0x4c: {  	_ =	shalt  }
0x4d: {  	_ =	shalt  }
0x4e: {  	_ =	shalt  }
0x4f: {  	_ =	shalt  }
0x50: {  	_ =	shalt  }
0x51: {  	_ =	shalt  }
0x52: {  	_ =	shalt  }
0x53: {  	_ =	shalt  }
0x54: {  	_ =	shalt  }
0x55: {  	_ =	shalt  }
0x56: {  	_ =	shalt  }
0x57: {  	_ =	shalt  }
0x58: {  	_ =	shalt  }
0x59: {  	_ =	shalt  }
0x5a: {  	_ =	shalt  }
0x5b: {  	_ =	shalt  }
0x5c: {  	_ =	shalt  }
0x5d: {  	_ =	shalt  }
0x5e: {  	_ =	shalt  }
0x5f: {  	_ =	shalt  }
0x60: {  	_ =	shalt  }
0x61: {  	_ =	shalt  }
0x62: {  	_ =	shalt  }
0x63: {  	_ =	shalt  }
0x64: {  	_ =	shalt  }
0x65: {  	_ =	shalt  }
0x66: {  	_ =	shalt  }
0x67: {  	_ =	shalt  }
0x68: {  	_ =	shalt  }
0x69: {  	_ =	shalt  }
0x6a: {  	_ =	shalt  }
0x6b: {  	_ =	shalt  }
0x6c: {  	_ =	shalt  }
0x6d: {  	_ =	shalt  }
0x6e: {  	_ =	shalt  }
0x6f: {  	_ =	shalt  }
0x70: {  	_ =	shalt  }
0x71: {  	_ =	shalt  }
0x72: {  	_ =	shalt  }
0x73: {  	_ =	shalt  }
0x74: {  	_ =	shalt  }
0x75: {  	_ =	shalt  }
0x76: {  	_ =	shalt  }
0x77: {  	_ =	shalt  }
0x78: {  	_ =	shalt  }
0x79: {  	_ =	shalt  }
0x7a: {  	_ =	shalt  }
0x7b: {  	_ =	shalt  }
0x7c: {  	_ =	shalt  }
0x7d: {  	_ =	shalt  }
0x7e: {  	_ =	shalt  }
0x7f: {  	_ =	shalt  }
0x80: {  	_ =	shalt  }
0x81: {  	_ =	shalt  }
0x82: {  	_ =	shalt  }
0x83: {  	_ =	shalt  }
0x84: {  	_ =	shalt  }
0x85: {  	_ =	shalt  }
0x86: {  	_ =	shalt  }
0x87: {  	_ =	shalt  }
.Lfunc_end0:
.L_simem_size_0:
called_computation_lowered:
.L_overlay_start_0:
0x88: {  	s2 =	sld [smem:$0x3FD9]  }
0x89: {  	s3 =	sld [smem:$0x3FFE];
	_ =	sdelay $0x1  }
0x8a: {  	s1 =	srdreg.scid  }
0x8b: {  	s0 =	sand.u32 $0x1, s1  }
0x8c: {  	s17 =	sshll.u32 s0, $0xA;
	s2 =	sadd.s32 s3, s2  }
0x8d: {  	s2 =	sadd.s32 s2, s17  }
0x8e: {  	[smem:$0x3FC0] =	sst s2  }
0x8f: {  	_ = 	snop  }
0x90: {  	s2 =	sld [smem:$0x3FD0];
	(tm) =	ssettm $0x1  }
0x91: {  	s18 =	sld [smem:$0x3FFB];
	_ =	sdelay $0x3  }
0x92: {  	_ =	strace s18  }
0x93: {  	s3 =	sld [smem:$0x3FFC];
	_ =	sdelay $0x3  }
0x94: {  	_ =	strace s3  }
0x95: {  	s3 =	sld [smem:$0x3FFD];
	_ =	sdelay $0x3  }
0x96: {  	_ =	strace s3  }
0x97: {  	_ =	strace $0x8FFFFFFF  }
0x98: {  	s19 =	sld [smem:$0x3FDB];
	_ =	sdelay $0x1  }
0x99: {  	s4 =	simm.s32 $_scs_section_size  }
0x9a: {  	s5 =	simm.s32 $_size__tile_overlayer_lowered;
	s6 =	simm.s32 $_tile_overlayer_lowered  }
0x9b: {  	s22 =	simm.s32 $0x1BFF;
	s21 =	sshll.u32 s6, $0x1;
	s3 =	sadd.s32 s4, s19  }
0x9c: {  	s7 =	simm.s32 $0x0;
	s20 =	sshll.u32 s5, $0x1;
	s5 =	sadd.s32 s21, s3  }
0x9d: {  	[timem:s7], [sflag:s22] =	dma.local [hbm:s5], s20  }
0x9e: {  	_ =	swait.ge [sflag:s22], s20  }
0x9f: {  	s4 =	ssub.s32 $0x0, s20;
	[sflag:s22] =	ssyncset.done $0x0  }
0xa0: {  	[sflag:s22] =	ssyncadd.s32 s4;
	_ =	sdelay $0x1  }
0xa1: {  	s23 =	simm.s32 $0x1B8B  }
0xa2: {  	_ =	swait.ge [sflag:s23], $0x1  }
0xa3: {  	[sflag:s23] =	ssyncset.done $0x0  }
0xa4: {  	s25 =	simm.s32 $0x1B8E;
	s24 =	sld [smem:$0x3FFE];
	[sflag:s23] =	ssyncadd.s32 $0xFFFFFFFF  }
0xa5: {  	s26 =	simm.s32 $execute0_lowered;
	[smem:$0x3FD2] =	sst s25  }
0xa6: {  	s5 =	sshll.u32 s26, $0x1;
	_ =	strace $0x80000046;
	[dreg:$0x1] =	wrdreg $0xFFFFFFFF  }
0xa7: {  	s28 =	simm.s32 $_size_execute0_lowered;
	s3 =	sadd.s32 s3, s5;
	[dreg:$0x0] =	wrdreg $0x0  }
0xa8: {  	s5 =	sshll.u32 s28, $0x1;
	[dreg:$0x2] =	wrdreg s3  }
0xa9: {  	[dreg:$0x3] =	wrdreg s5  }
0xaa: {  	[dreg:$0x4] =	wrdreg $0xC0  }
0xab: {  	_ =	task [dreg:s7], $0x5FFFF  }
0xac: {  	[dreg:$0x1] =	wrdreg $0xFFFFFFFF  }
0xad: {  	[dreg:$0x0] =	wrdreg $0x60  }
0xae: {  	[dreg:$0x2] =	wrdreg s2  }
0xaf: {  	[dreg:$0x3] =	wrdreg s24  }
0xb0: {  	[dreg:$0x4] =	wrdreg $0x53E80  }
0xb1: {  	[dreg:$0x5] =	wrdreg $0x67700  }
0xb2: {  	[dreg:$0x6] =	wrdreg $0x9  }
0xb3: {  	_ =	task.clear_ibuf [dreg:s7], $0x7FFFF;
	_ =	strace $0x90000046  }
0xb4: {  	s29 =	simm.s32 $0x9;
	_ =	strace $0x80000048  }
0xb5: {  	_ =	swait.ge [sflag:s29], $0x1  }
0xb6: {  	[sflag:s29] =	ssyncadd.s32 $0xFFFFFFFF  }
0xb7: {  	_ =	strace $0x90000048  }
0xb8: {  	_ =	sfence  }
0xb9: {  	s30 =	sld [smem:$0x0];
	_ =	sdelay $0x2  }
0xba: {  	s31 =	sshll.u32 s1, $0xD;
	s1 =	sshrl.u32 s1, $0x2  }
0xbb: {  	s3 =	sand.u32 $0x4000, s31;
	s1 =	sadd.s32 s1, s30  }
0xbc: {  	s0 =	sor.u32 s3, s0;
	s1 =	sshll.u32 s1, $0x11  }
0xbd: {  	s0 =	sor.u32 s1, s0  }
0xbe: {  	s0 =	sadd.s32 $0x8F2B, s0  }
0xbf: {  	[sflag:s0] =	ssyncadd.remote.s32 $0x1  }
0xc0: {  	_ =	sfence.sel $0xFFFF  }
0xc1: {  	[dreg:$0x0] =	wrdreg $0xFFFFFFFF;
	(pc) =	sbr.abs _section_cstart, $3  }
0xc2: {  	[dreg:$0x1] =	wrdreg $0xFFFFFFFF  }
0xc3: {  	_ =	task.clear_ibuf [dreg:s7], $0x2FFFF;
	_ =	strace $0x9FFFFFFF  }
0xc4: {  	(tm) =	ssettm $0x7FFFFFFF  }
0xc5: {  	_ =	shalt  }
tec
execute0_lowered:
.L_overlay_start_1:
0x0: {  	(tag) =	ssettag $0x1  }
0x1: {  	s8 =	rddreg [dreg:$0x0]  }
0x2: {  	s7 =	rddreg [dreg:$0x1]  }
0x3: {  	s2 =	rddreg [dreg:$0x2]  }
0x4: {  	s0 =	srdreg.scid;
	s3 =	rddreg [dreg:$0x3]  }
0x5: {  	s4 =	simm.s32 $0x0;
	s16 =	simm.s32 $0x2800;
	s17 =	simm.s32 $0x5000  }
0x6: {  	s18 =	simm.s32 $0x7D;
	s6 =	sand.u32 $0x1, s0;
	s0 =	stileid.u32  }
0x7: {  	s19 =	simm.s32 $0x0;
	[smem:$0x7FF] =	sst s4;
	s10 =	smul.u32 $0x1388, s0  }
0x8: {  	s5 =	sadd.s32 $0x20400, s7;
	s1 =	sshll.u32 s6, $0x4;
	s11 =	smul.u32 $0x13880, s6  }
0x9: {  	s13 =	ssub.s32 $0x2, s6;
	s6 =	sadd.s32 $0x20000, s7;
	s1 =	sor.u32 s0, s1  }
0xa: {  	s30 =	sshll.u32 s0, $0x6;
	s14 =	sshrl.u32 s13, $0x1;
	s9 =	smul.u32 $0x500, s1  }
0xb: {  	s1 =	rddreg [dreg:$0x4];
	_ =	strace $0x80000047;
	s11 =	sadd.s32 s10, s11  }
0xc: {  	s13 =	ssub.s32 s13, s14;
	s31 =	sadd.s32 s10, s2;
	s15 =	sadd.s32 s10, s3  }
0xd: {  	s14 =	simm.s32 $0x1;
	s11 =	sshrl.u32 s11, $0x3;
	s15 =	sshrl.u32 s15, $0x3  }
0xe: {  	s12 =	sadd.s32 s9, s7;
	s11 =	sadd.s32 s11, s7;
	s7 =	sor.u32 $0x1C01, s30  }
0xf: {  	s8 =	sadd.s32 s8, s9;
	s9 =	sadd.s32 $0x16000, s12;
	s10 =	sadd.s32 $0x20600, s11  }
0x10: {  	s11 =	sadd.s32 $0x25600, s11;
	s12 =	smax.u32 s13, $0x1;
	s13 =	sshrl.u32 s31, $0x3  }
.LBB2_1:
0x11: {  	[spmem:s13], [sflag:s7] =	dma.local [hbm:s6], $0x271  }
0x12: {  	_ =	swait.ge [sflag:s14], $0x271  }
0x13: {  	[sflag:s14] =	ssyncset.done $0x0  }
0x14: {  	[sflag:s14] =	ssyncadd.s32 $0xFFFFFD8F  }
0x15: {  	[spmem:s15], [sflag:s7] =	dma.local [hbm:s6], $0x271  }
0x16: {  	_ =	swait.ge [sflag:s14], $0x271  }
0x17: {  	[sflag:s14] =	ssyncset.done $0x0  }
0x18: {  	[sflag:s14] =	ssyncadd.s32 $0xFFFFFD8F  }
0x19: {  	[tilespmem:s4], [sflag:$0x1] =	stream.linear.gather [hbm4b:s8+s4], $0x2800, $0x38;
	[tilespmem:$0x7AF8] =	vst v63  }
0x1a: {  	_ =	swait.ge [sflag:s14], $0x2800  }
0x1b: {  	[sflag:s14] =	ssyncset.done $0x0  }
0x1c: {  	[sflag:s14] =	ssyncadd.s32 $0xFFFFD800  }
0x1d: {  	[tilespmem:s16], [sflag:$0x1] =	stream.linear.gather [hbm4b:s9+s4], $0x2800, $0x38;
	[tilespmem:$0x7AF8] =	vst v63  }
0x1e: {  	_ =	swait.ge [sflag:s14], $0x2800  }
0x1f: {  	[sflag:s14] =	ssyncset.done $0x0  }
0x20: {  	[sflag:s14] =	ssyncadd.s32 $0xFFFFD800  }
0x21: {  	[tilespmem:s17], [sflag:$0x1] =	stream.linear.gather [hbm4b:s5+s4], $0x3E8, $0x38;
	[tilespmem:$0x7AF8] =	vst v63  }
0x22: {  	_ =	swait.ge [sflag:s14], $0x3E8  }
0x23: {  	[sflag:s14] =	ssyncset.done $0x0  }
0x24: {  	[sflag:s14] =	ssyncadd.s32 $0xFFFFFC18  }
0x25: {  	s20 =	simm.s32 $0x0;
	[bflag:$0x0] =	sbarrier.arrive $0xFFFF  }
0x26: {  	[spmem:s2] =	stream.indirect.scatter.add.f32 [tilespmem:s17], [sflag:$0x1], $0x8, s20, s18, $0xb8;
	[tilespmem:$0x7AF8] =	vst v63  }
0x27: {  	_ =	swait.ge [sflag:s14], $0x3E8  }
0x28: {  	[sflag:s14] =	ssyncset.done $0x0  }
0x29: {  	s31 =	simm.s32 $0x2800;
	[sflag:s14] =	ssyncadd.s32 $0xFFFFFC18  }
0x2a: {  	[spmem:s3] =	stream.indirect.scatter.add.f32 [tilespmem:s17], [sflag:$0x1], $0x8, s31, s18, $0xb8;
	[tilespmem:$0x7AF8] =	vst v63  }
0x2b: {  	_ =	swait.ge [sflag:s14], $0x3E8  }
0x2c: {  	s21 =	simm.s32 $0x400;
	s20 =	simm.s32 $0x200;
	[sflag:s14] =	ssyncset.done $0x0  }
.LBB2_2:
0x2d: {  	s22 =	sshra.s32 s20, $0x2  }
0x2e: {  	[sflag:s14] =	ssyncadd.s32 $0xFFFFFC18;
	s20 =	smov.u32 s21;
	s23 =	sadd.s32 $0x200, s21  }
0x2f: {  	[spmem:s2] =	stream.indirect.scatter.add.f32 [tilespmem:s17], [sflag:$0x1], $0x8, s22, s18, $0xb8;
	[tilespmem:$0x7AF8] =	vst v63  }
0x30: {  	p0 =	sne.s32 s21, $0x9E00;
	_ =	swait.ge [sflag:s14], $0x3E8  }
.Ltmp0:
0x31: {  	[sflag:s14] =	ssyncset.done $0x0;
	(pc) =	sbr.rel @p0 .LBB2_2-.Ltmp0, $4  }
0x32: {  	s21 =	sadd.s32 $0x2800, s22;
	[sflag:s14] =	ssyncadd.s32 $0xFFFFFC18  }
0x33: {  	[spmem:s3] =	stream.indirect.scatter.add.f32 [tilespmem:s17], [sflag:$0x1], $0x8, s21, s18, $0xb8;
	[tilespmem:$0x7AF8] =	vst v63  }
0x34: {  	_ =	swait.ge [sflag:s14], $0x3E8  }
0x35: {  	s21 =	smov.u32 s23;
	[sflag:s14] =	ssyncset.done $0x0  }
0x36: {  	s20 =	sshra.s32 s20, $0x2;
	[sflag:s14] =	ssyncadd.s32 $0xFFFFFC18  }
0x37: {  	[spmem:s2] =	stream.indirect.scatter.add.f32 [tilespmem:s17], [sflag:$0x1], $0x8, s20, s18, $0xb8;
	[tilespmem:$0x7AF8] =	vst v63  }
0x38: {  	_ =	swait.ge [sflag:s14], $0x3E8  }
0x39: {  	[sflag:s14] =	ssyncset.done $0x0  }
0x3a: {  	s20 =	sadd.s32 $0x2800, s20;
	[sflag:s14] =	ssyncadd.s32 $0xFFFFFC18  }
0x3b: {  	[spmem:s3] =	stream.indirect.scatter.add.f32 [tilespmem:s17], [sflag:$0x1], $0x8, s20, s18, $0xb8;
	[tilespmem:$0x7AF8] =	vst v63  }
0x3c: {  	_ =	swait.ge [sflag:s14], $0x3E8  }
0x3d: {  	[sflag:s14] =	ssyncset.done $0x0  }
0x3e: {  	[sflag:s14] =	ssyncadd.s32 $0xFFFFFC18  }
0x3f: {  	[bflag:$0x0] =	sbarrier.arrive $0xFFFF  }
0x40: {  	[hbm:s10], [sflag:s7] =	dma.local [spmem:s13], $0x271  }
0x41: {  	s19 =	sadd.s32 $0x1, s19;
	_ =	swait.ge [sflag:s14], $0x271  }
0x42: {  	p0 =	sne.s32 s19, s12;
	[sflag:s14] =	ssyncset.done $0x0  }
.Ltmp1:
0x43: {  	[sflag:s14] =	ssyncadd.s32 $0xFFFFFD8F;
	(pc) =	sbr.rel @p0 .LBB2_1-.Ltmp1, $4  }
0x44: {  	[hbm:s11], [sflag:s7] =	dma.local [spmem:s15], $0x271  }
0x45: {  	_ =	swait.ge [sflag:s14], $0x271  }
0x46: {  	[sflag:s14] =	ssyncset.done $0x0  }
0x47: {  	[sflag:s14] =	ssyncadd.s32 $0xFFFFFD8F  }
0x48: {  	_ =	sfence.sel $0x180000  }
0x49: {  	[bflag:$0x0] =	sbarrier.arrive $0xFFFF  }
0x4a: {  	p0 =	sne.s32 s0, $0x0;
	_ =	strace $0x90000047  }
0x4b: {  	s0 =	sadd.s32 @!p0 $0x100000, s1;
	[bflag:$0x2] =	sbarrier.arrive $0xFFFF  }
0x4c: {  	[sflag:s0] =	ssyncadd.tile.s32 @!p0 $0x1;
	_ =	shalt  }
.Lfunc_end2:
_tile_overlayer_lowered:
.L_overlay_start_2:
0x4d: {  	(tag) =	ssettag $0x2  }
0x4e: {  	s0 =	rddreg [dreg:$0x0];
	s2 =	stileid.u32  }
0x4f: {  	s1 =	rddreg [dreg:$0x1];
	p0 =	sne.s32 s2, $0x0  }
0x50: {  	s3 =	rddreg [dreg:$0x2];
	[bflag:$0x3] =	sbarrier.arrive $0xFFFF;
	s2 =	simm.s32 @!p0 $0x1C01  }
0x51: {  	[timem:s3], [sflag:s2] =	dma.local @!p0 [hbm:s0], s1  }
0x52: {  	s0 =	simm.s32 @!p0 $0x1  }
0x53: {  	_ =	swait.ge @!p0 [sflag:s0], s1  }
0x54: {  	s1 =	ssub.s32 @!p0 $0x0, s1;
	[sflag:s0] =	ssyncset.done @!p0 $0x0  }
0x55: {  	[sflag:s0] =	ssyncadd.s32 @!p0 s1  }
0x56: {  	[bflag:$0x3] =	sbarrier.arrive $0xFFFF  }
0x57: {  	_ =	shalt  }

// kernel: kernel.9.cloned.1.call-start
scs
__scs_entry_jumppad:
0x0: {  	(pc) =	sbr.rel $0x88, $3  }
0x1: {  	(tag) =	ssettag $0x0;
	lr =	simm.s32 $0x1  }
0x2: {  	[smem:$0x3F99] =	sst lr;
	_ =	strace $0xD0000000  }
0x3: {  	_ = 	snop  }
0x4: {  	_ = 	snop  }
0x5: {  	_ = 	snop  }
0x6: {  	_ = 	snop  }
0x7: {  	_ = 	snop  }
__scs_overlays_trampoline_lowered:
0x8: {  	[smem:$0x3FA8] =	sst s0  }
0x9: {  	[smem:$0x3FA9] =	sst s1  }
0xa: {  	[smem:$0x3FAA] =	sst s2  }
0xb: {  	[smem:$0x3FAB] =	sst s3  }
0xc: {  	[smem:$0x3FAC] =	sst s4  }
0xd: {  	[smem:$0x3FAD] =	sst s5  }
0xe: {  	[smem:$0x3FAE] =	sst s6  }
0xf: {  	[smem:$0x3FAF] =	sst s7  }
0x10: {  	[smem:$0x3FB0] =	sst s8  }
0x11: {  	[smem:$0x3FB1] =	sst s9;
	s0 =	simm.s32 @!p0 $0x0  }
0x12: {  	s1 =	sld [smem:$0x3F97];
	s0 =	simm.s32 @p0 $0x1  }
0x13: {  	[smem:$0x3FB2] =	sst s0;
	s0 =	simm.s32 @!p1 $0x0  }
0x14: {  	s2 =	sld [smem:$0x3F96];
	s0 =	simm.s32 @p1 $0x1  }
0x15: {  	[smem:$0x3FB3] =	sst s0;
	s0 =	simm.s32 @!p2 $0x0  }
0x16: {  	s3 =	sld [smem:$0x3FDB];
	s0 =	simm.s32 @p2 $0x1  }
0x17: {  	s4 =	simm.s32 $0x1BF5;
	[smem:$0x3FB5] =	sst s0  }
0x18: {  	s0 =	sld [smem:$0x3F98];
	_ =	swait.ge [sflag:s4], $0x0  }
0x19: {  	s7 =	sld [smem:$0x3F99]  }
0x1a: {  	s8 =	sadd.s32 $0xFFFFE003, lr  }
0x1b: {  	s9 =	sadd.s32 $0xFFFFFEF7, lr;
	s5 =	simm.s32 $0xFFFFFFFF;
	p2 =	slt.u32 s8, $0xFFFFF086  }
0x1c: {  	p1 =	slt.u32 s9, $0xF7A;
	s5 =	simm.s32 @!p2 $0x0  }
0x1d: {  	s5 =	simm.s32 @p1 $0x1;
	p0 =	seq.s32 s7, s2  }
0x1e: {  	s7 =	smul.u32 @!p0 $0xF7A, s2;
	p2 =	seq.s32 @!p0 s5, $0x0  }
0x1f: {  	s9 =	smul.u32 $0xF7A, s1;
	s8 =	simm.s32 @!p0 $0x1BF5;
	p2 =	por !p2, p0  }
0x20: {  	[sflag:s8] =	ssyncset.s32 @!p0 $0xFFFFF086;
	s6 =	sadd.s32 @!p0 s3, s7;
	s7 =	simm.s32 @!p0 $0x108  }
0x21: {  	s3 =	sadd.s32 s3, s9;
	s6 =	sadd.s32 @!p0 $0x88, s6;
	s7 =	simm.s32 @p2 $0x1082  }
0x22: {  	[simem:s7], [sflag:s8] =	dma.local @!p0 [hbm:s6], $0xF7A  }
0x23: {  	s9 =	sor.u32 $0xD0000000, s2;
	s6 =	simm.s32 $0x108;
	_ =	swait.ge @!p0 [sflag:s8], $0x0  }
0x24: {  	s3 =	sadd.s32 $0x88, s3;
	s6 =	simm.s32 @!p1 $0x1082;
	[sflag:s4] =	ssyncset.s32 $0xFFFFF086  }
0x25: {  	[simem:s6], [sflag:s4] =	dma.local [hbm:s3], $0xF7A  }
0x26: {  	[smem:$0x3F99] =	sst s1;
	(tag) =	ssettag s2;
	_ =	strace s9  }
0x27: {  	s1 =	sld [smem:$0x3FA9]  }
0x28: {  	s2 =	sld [smem:$0x3FAA]  }
0x29: {  	s4 =	sld [smem:$0x3FAC]  }
0x2a: {  	p0 =	seq.s32 s5, $0x0;
	s5 =	sld [smem:$0x3FAD]  }
0x2b: {  	s6 =	sld [smem:$0x3FAE]  }
0x2c: {  	s7 =	sld [smem:$0x3FAF]  }
0x2d: {  	s3 =	simm.s32 $0x108;
	s8 =	sld [smem:$0x3FB0]  }
0x2e: {  	s3 =	simm.s32 @!p0 $0x1082;
	s9 =	sld [smem:$0x3FB1]  }
0x2f: {  	lr =	sadd.s32 s0, s3;
	s0 =	sld [smem:$0x3FA8]  }
0x30: {  	s3 =	sld [smem:$0x3FAB]  }
0x31: {  	[smem:$0x3FB4] =	sst s10  }
0x32: {  	s10 =	sld [smem:$0x3FB2];
	_ =	sdelay $0x3  }
0x33: {  	p0 =	seq.s32 s10, $0x1;
	s10 =	sld [smem:$0x3FB4];
	_ =	sdelay $0x3  }
0x34: {  	[smem:$0x3FB4] =	sst s10  }
0x35: {  	s10 =	sld [smem:$0x3FB3];
	_ =	sdelay $0x3  }
0x36: {  	p1 =	seq.s32 s10, $0x1;
	s10 =	sld [smem:$0x3FB4];
	_ =	sdelay $0x3  }
0x37: {  	[smem:$0x3FB4] =	sst s10  }
0x38: {  	s10 =	sld [smem:$0x3FB5]  }
0x39: {  	_ = 	snop;
	(pc) =	sbr.ind lr, $3  }
0x3a: {  	_ = 	snop  }
0x3b: {  	_ = 	snop  }
0x3c: {  	p2 =	seq.s32 s10, $0x1;
	s10 =	sld [smem:$0x3FB4]  }
0x3d: {  	_ =	shalt  }
0x3e: {  	_ =	shalt  }
0x3f: {  	_ =	shalt  }
0x40: {  	_ =	shalt  }
0x41: {  	_ =	shalt  }
0x42: {  	_ =	shalt  }
0x43: {  	_ =	shalt  }
0x44: {  	_ =	shalt  }
0x45: {  	_ =	shalt  }
0x46: {  	_ =	shalt  }
0x47: {  	_ =	shalt  }
0x48: {  	_ =	shalt  }
0x49: {  	_ =	shalt  }
0x4a: {  	_ =	shalt  }
0x4b: {  	_ =	shalt  }
0x4c: {  	_ =	shalt  }
0x4d: {  	_ =	shalt  }
0x4e: {  	_ =	shalt  }
0x4f: {  	_ =	shalt  }
0x50: {  	_ =	shalt  }
0x51: {  	_ =	shalt  }
0x52: {  	_ =	shalt  }
0x53: {  	_ =	shalt  }
0x54: {  	_ =	shalt  }
0x55: {  	_ =	shalt  }
0x56: {  	_ =	shalt  }
0x57: {  	_ =	shalt  }
0x58: {  	_ =	shalt  }
0x59: {  	_ =	shalt  }
0x5a: {  	_ =	shalt  }
0x5b: {  	_ =	shalt  }
0x5c: {  	_ =	shalt  }
0x5d: {  	_ =	shalt  }
0x5e: {  	_ =	shalt  }
0x5f: {  	_ =	shalt  }
0x60: {  	_ =	shalt  }
0x61: {  	_ =	shalt  }
0x62: {  	_ =	shalt  }
0x63: {  	_ =	shalt  }
0x64: {  	_ =	shalt  }
0x65: {  	_ =	shalt  }
0x66: {  	_ =	shalt  }
0x67: {  	_ =	shalt  }
0x68: {  	_ =	shalt  }
0x69: {  	_ =	shalt  }
0x6a: {  	_ =	shalt  }
0x6b: {  	_ =	shalt  }
0x6c: {  	_ =	shalt  }
0x6d: {  	_ =	shalt  }
0x6e: {  	_ =	shalt  }
0x6f: {  	_ =	shalt  }
0x70: {  	_ =	shalt  }
0x71: {  	_ =	shalt  }
0x72: {  	_ =	shalt  }
0x73: {  	_ =	shalt  }
0x74: {  	_ =	shalt  }
0x75: {  	_ =	shalt  }
0x76: {  	_ =	shalt  }
0x77: {  	_ =	shalt  }
0x78: {  	_ =	shalt  }
0x79: {  	_ =	shalt  }
0x7a: {  	_ =	shalt  }
0x7b: {  	_ =	shalt  }
0x7c: {  	_ =	shalt  }
0x7d: {  	_ =	shalt  }
0x7e: {  	_ =	shalt  }
0x7f: {  	_ =	shalt  }
0x80: {  	_ =	shalt  }
0x81: {  	_ =	shalt  }
0x82: {  	_ =	shalt  }
0x83: {  	_ =	shalt  }
0x84: {  	_ =	shalt  }
0x85: {  	_ =	shalt  }
0x86: {  	_ =	shalt  }
0x87: {  	_ =	shalt  }
.Lfunc_end0:
.L_simem_size_0:
called_computation.1_lowered:
.L_overlay_start_0:
0x88: {  	s2 =	sld [smem:$0x3FD9]  }
0x89: {  	s3 =	sld [smem:$0x3FFE];
	_ =	sdelay $0x1  }
0x8a: {  	s1 =	srdreg.scid  }
0x8b: {  	s0 =	sand.u32 $0x1, s1  }
0x8c: {  	s17 =	sshll.u32 s0, $0xA;
	s2 =	sadd.s32 s3, s2  }
0x8d: {  	s2 =	sadd.s32 s2, s17  }
0x8e: {  	[smem:$0x3FC0] =	sst s2  }
0x8f: {  	_ = 	snop  }
0x90: {  	s2 =	sld [smem:$0x3FD0];
	(tm) =	ssettm $0x1  }
0x91: {  	s18 =	sld [smem:$0x3FFB];
	_ =	sdelay $0x3  }
0x92: {  	_ =	strace s18  }
0x93: {  	s3 =	sld [smem:$0x3FFC];
	_ =	sdelay $0x3  }
0x94: {  	_ =	strace s3  }
0x95: {  	s3 =	sld [smem:$0x3FFD];
	_ =	sdelay $0x3  }
0x96: {  	_ =	strace s3  }
0x97: {  	_ =	strace $0x8FFFFFFF  }
0x98: {  	s19 =	sld [smem:$0x3FDB];
	_ =	sdelay $0x1  }
0x99: {  	s4 =	simm.s32 $_scs_section_size  }
0x9a: {  	s5 =	simm.s32 $_size__tile_overlayer_lowered;
	s6 =	simm.s32 $_tile_overlayer_lowered  }
0x9b: {  	s22 =	simm.s32 $0x1BFF;
	s21 =	sshll.u32 s6, $0x1;
	s3 =	sadd.s32 s4, s19  }
0x9c: {  	s7 =	simm.s32 $0x0;
	s20 =	sshll.u32 s5, $0x1;
	s5 =	sadd.s32 s21, s3  }
0x9d: {  	[timem:s7], [sflag:s22] =	dma.local [hbm:s5], s20  }
0x9e: {  	_ =	swait.ge [sflag:s22], s20  }
0x9f: {  	s4 =	ssub.s32 $0x0, s20;
	[sflag:s22] =	ssyncset.done $0x0  }
0xa0: {  	[sflag:s22] =	ssyncadd.s32 s4;
	_ =	sdelay $0x1  }
0xa1: {  	s23 =	simm.s32 $0x1B8B  }
0xa2: {  	_ =	swait.ge [sflag:s23], $0x1  }
0xa3: {  	[sflag:s23] =	ssyncset.done $0x0  }
0xa4: {  	s25 =	simm.s32 $0x1B8E;
	s24 =	sld [smem:$0x3FFE];
	[sflag:s23] =	ssyncadd.s32 $0xFFFFFFFF  }
0xa5: {  	s26 =	simm.s32 $execute0_lowered;
	[smem:$0x3FD2] =	sst s25  }
0xa6: {  	s5 =	sshll.u32 s26, $0x1;
	_ =	strace $0x80000049;
	[dreg:$0x1] =	wrdreg $0xFFFFFFFF  }
0xa7: {  	s28 =	simm.s32 $_size_execute0_lowered;
	s3 =	sadd.s32 s3, s5;
	[dreg:$0x0] =	wrdreg $0x0  }
0xa8: {  	s5 =	sshll.u32 s28, $0x1;
	[dreg:$0x2] =	wrdreg s3  }
0xa9: {  	[dreg:$0x3] =	wrdreg s5  }
0xaa: {  	[dreg:$0x4] =	wrdreg $0xC0  }
0xab: {  	_ =	task [dreg:s7], $0x5FFFF  }
0xac: {  	[dreg:$0x1] =	wrdreg $0xFFFFFFFF  }
0xad: {  	[dreg:$0x0] =	wrdreg $0x60  }
0xae: {  	[dreg:$0x2] =	wrdreg s2  }
0xaf: {  	[dreg:$0x3] =	wrdreg s24  }
0xb0: {  	[dreg:$0x4] =	wrdreg $0xA8000  }
0xb1: {  	[dreg:$0x5] =	wrdreg $0x9  }
0xb2: {  	_ =	task.clear_ibuf [dreg:s7], $0x6FFFF;
	_ =	strace $0x90000049  }
0xb3: {  	s29 =	simm.s32 $0x9;
	_ =	strace $0x8000004B  }
0xb4: {  	_ =	swait.ge [sflag:s29], $0x1  }
0xb5: {  	[sflag:s29] =	ssyncadd.s32 $0xFFFFFFFF  }
0xb6: {  	_ =	strace $0x9000004B  }
0xb7: {  	_ =	sfence  }
0xb8: {  	s30 =	sld [smem:$0x0];
	_ =	sdelay $0x2  }
0xb9: {  	s31 =	sshll.u32 s1, $0xD;
	s1 =	sshrl.u32 s1, $0x2  }
0xba: {  	s3 =	sand.u32 $0x4000, s31;
	s1 =	sadd.s32 s1, s30  }
0xbb: {  	s0 =	sor.u32 s3, s0;
	s1 =	sshll.u32 s1, $0x11  }
0xbc: {  	s0 =	sor.u32 s1, s0  }
0xbd: {  	s0 =	sadd.s32 $0x8F2B, s0  }
0xbe: {  	[sflag:s0] =	ssyncadd.remote.s32 $0x1  }
0xbf: {  	_ =	sfence.sel $0xFFFF  }
0xc0: {  	[dreg:$0x0] =	wrdreg $0xFFFFFFFF;
	(pc) =	sbr.abs _section_cstart, $3  }
0xc1: {  	[dreg:$0x1] =	wrdreg $0xFFFFFFFF  }
0xc2: {  	_ =	task.clear_ibuf [dreg:s7], $0x2FFFF;
	_ =	strace $0x9FFFFFFF  }
0xc3: {  	(tm) =	ssettm $0x7FFFFFFF  }
tec
execute0_lowered:
.L_overlay_start_1:
0x0: {  	(tag) =	ssettag $0x1  }
0x1: {  	s1 =	rddreg [dreg:$0x0]  }
0x2: {  	s6 =	rddreg [dreg:$0x1]  }
0x3: {  	s2 =	rddreg [dreg:$0x2];
	s3 =	srdreg.scid  }
0x4: {  	s0 =	rddreg [dreg:$0x3];
	s4 =	simm.s32 $0x0;
	s15 =	simm.s32 $0x1400  }
0x5: {  	s16 =	simm.s32 $0x7D;
	s17 =	simm.s32 $0x2800;
	s18 =	simm.s32 $0x80  }
0x6: {  	s19 =	simm.s32 $0x6800;
	s20 =	simm.s32 $0x1;
	s21 =	simm.s32 $0x2  }
0x7: {  	s22 =	simm.s32 $0x2700;
	s23 =	simm.s32 $0x2780;
	s24 =	simm.s32 $0x0  }
0x8: {  	s7 =	sand.u32 $0x1, s3;
	s3 =	stileid.u32;
	[smem:$0x7FF] =	sst s4  }
0x9: {  	s11 =	sadd.s32 $0xC000, s6;
	s12 =	sadd.s32 $0x2000, s6;
	s8 =	smul.u32 $0x13C000, s7  }
0xa: {  	s5 =	sadd.s32 $0x16000, s6;
	s9 =	smul.u32 $0x13C00, s3;
	_ =	strace $0x8000004A  }
0xb: {  	s25 =	sshll.u32 s7, $0x4;
	s10 =	smul.u32 $0x4E200, s3;
	s26 =	ssub.s32 $0x2, s7  }
0xc: {  	s30 =	sshll.u32 s3, $0x6;
	s28 =	sor.u32 s3, s25;
	s29 =	sshrl.u32 s26, $0x1  }
0xd: {  	s8 =	sadd.s32 s9, s8;
	s10 =	sshrl.u32 s10, $0x2;
	s13 =	smul.u32 $0x2800, s28  }
0xe: {  	s9 =	ssub.s32 s26, s29;
	s8 =	sshrl.u32 s8, $0x3;
	s14 =	sadd.s32 s10, s2  }
0xf: {  	s8 =	sadd.s32 s8, s6;
	s6 =	sor.u32 $0x1C03, s30;
	s31 =	sshrl.u32 s13, $0x3  }
0x10: {  	s7 =	sadd.s32 $0x2A600, s8;
	s8 =	smax.u32 s9, $0x1;
	s13 =	sadd.s32 $0x280, s31  }
0x11: {  	s9 =	sadd.s32 s11, s31;
	s10 =	sadd.s32 s12, s31;
	s11 =	sadd.s32 s11, s13  }
0x12: {  	s12 =	sadd.s32 s12, s13;
	s13 =	sshrl.u32 s14, $0x3;
	s14 =	simm.s32 $0x3  }
.LBB2_1:
0x13: {  	[spmem:s13], [sflag:s6] =	dma.local [hbm:s5], $0x2710  }
0x14: {  	_ =	swait.ge [sflag:s14], $0x2710  }
0x15: {  	[sflag:s14] =	ssyncset.done $0x0  }
0x16: {  	[sflag:s14] =	ssyncadd.s32 $0xFFFFD8F0  }
0x17: {  	[bflag:$0x0] =	sbarrier.arrive $0xFFFF  }
0x18: {  	[tilespmem:s4], [sflag:$0x3] =	stream.linear.gather [hbm4b:s9+s4], $0x1400, $0x38;
	[tilespmem:$0x1E080] =	vst v63  }
0x19: {  	_ =	swait.ge [sflag:s14], $0x1400  }
0x1a: {  	[sflag:s14] =	ssyncset.done $0x0  }
0x1b: {  	[sflag:s14] =	ssyncadd.s32 $0xFFFFEC00  }
0x1c: {  	[tilespmem:s15], [sflag:$0x3] =	stream.linear.gather [hbm4b:s10+s4], $0x1400, $0x38;
	[tilespmem:$0x1E080] =	vst v63  }
0x1d: {  	_ =	swait.ge [sflag:s14], $0x1400  }
0x1e: {  	[sflag:s14] =	ssyncset.done $0x0  }
0x1f: {  	[sflag:s14] =	ssyncadd.s32 $0xFFFFEC00  }
0x20: {  	[tilespmem:s17], [sflag:$0x1] =	stream.indirect.gather [hbm4b:s1+s16], $0x80, s4, s16, $0xb8;
	[tilespmem:$0x1E080] =	vst v63  }
0x21: {  	_ = 	snop  }
0x22: {  	[tilespmem:s19], [sflag:$0x2] =	stream.indirect.gather [hbm4b:s1+s16], $0x80, s18, s16, $0xb8;
	[tilespmem:$0x1E080] =	vst v63  }
0x23: {  	_ =	swait.ge [sflag:s20], $0x3E80  }
0x24: {  	[sflag:s20] =	ssyncset.done $0x0  }
0x25: {  	s25 =	simm.s32 $0x1400;
	[sflag:s20] =	ssyncadd.s32 $0xFFFFC180  }
0x26: {  	[spmem:s2] =	stream.indirect.scatter.add.f32 [tilespmem:s17], [sflag:$0x3], $0x80, s25, s16, $0xb8;
	[tilespmem:$0x1E080] =	vst v63  }
0x27: {  	_ =	swait.ge [sflag:s14], $0x3E80  }
0x28: {  	[sflag:s14] =	ssyncset.done $0x0  }
0x29: {  	s30 =	simm.s32 $0x100;
	[sflag:s14] =	ssyncadd.s32 $0xFFFFC180  }
0x2a: {  	[tilespmem:s17], [sflag:$0x1] =	stream.indirect.gather [hbm4b:s1+s16], $0x80, s30, s16, $0xb8;
	[tilespmem:$0x1E080] =	vst v63  }
0x2b: {  	_ =	swait.ge [sflag:s21], $0x3E80  }
0x2c: {  	[sflag:s21] =	ssyncset.done $0x0  }
0x2d: {  	s31 =	simm.s32 $0x1480;
	[sflag:s21] =	ssyncadd.s32 $0xFFFFC180  }
0x2e: {  	[spmem:s2] =	stream.indirect.scatter.add.f32 [tilespmem:s19], [sflag:$0x3], $0x80, s31, s16, $0xb8;
	[tilespmem:$0x1E080] =	vst v63  }
0x2f: {  	_ =	swait.ge [sflag:s14], $0x3E80  }
0x30: {  	[sflag:s14] =	ssyncset.done $0x0  }
0x31: {  	s26 =	simm.s32 $0x180;
	s25 =	simm.s32 $0x400;
	[sflag:s14] =	ssyncadd.s32 $0xFFFFC180  }
.LBB2_2:
0x32: {  	[tilespmem:s19], [sflag:$0x2] =	stream.indirect.gather [hbm4b:s1+s16], $0x80, s26, s16, $0xb8;
	[tilespmem:$0x1E080] =	vst v63  }
0x33: {  	s26 =	smov.u32 s25  }
0x34: {  	p0 =	sne.s32 s25, $0x4800;
	s25 =	sadd.s32 $0x400, s25;
	_ =	swait.ge [sflag:s20], $0x3E80  }
0x35: {  	s26 =	sshra.s32 s26, $0x2;
	[sflag:s20] =	ssyncset.done $0x0  }
0x36: {  	s28 =	sadd.s32 $0x1400, s26;
	[sflag:s20] =	ssyncadd.s32 $0xFFFFC180  }
0x37: {  	[spmem:s2] =	stream.indirect.scatter.add.f32 [tilespmem:s17], [sflag:$0x3], $0x80, s28, s16, $0xb8;
	[tilespmem:$0x1E080] =	vst v63  }
0x38: {  	_ =	swait.ge [sflag:s14], $0x3E80  }
0x39: {  	[sflag:s14] =	ssyncset.done $0x0  }
0x3a: {  	s28 =	sadd.s32 $0x100, s26;
	[sflag:s14] =	ssyncadd.s32 $0xFFFFC180  }
0x3b: {  	[tilespmem:s17], [sflag:$0x1] =	stream.indirect.gather [hbm4b:s1+s16], $0x80, s28, s16, $0xb8;
	[tilespmem:$0x1E080] =	vst v63  }
0x3c: {  	_ =	swait.ge [sflag:s21], $0x3E80  }
0x3d: {  	[sflag:s21] =	ssyncset.done $0x0  }
.Ltmp0:
0x3e: {  	s28 =	sadd.s32 $0x1480, s26;
	[sflag:s21] =	ssyncadd.s32 $0xFFFFC180;
	(pc) =	sbr.rel @p0 .LBB2_2-.Ltmp0, $4  }
0x3f: {  	[spmem:s2] =	stream.indirect.scatter.add.f32 [tilespmem:s19], [sflag:$0x3], $0x80, s28, s16, $0xb8;
	[tilespmem:$0x1E080] =	vst v63  }
0x40: {  	_ =	swait.ge [sflag:s14], $0x3E80  }
0x41: {  	[sflag:s14] =	ssyncset.done $0x0  }
0x42: {  	s26 =	sadd.s32 $0x180, s26;
	[sflag:s14] =	ssyncadd.s32 $0xFFFFC180  }
0x43: {  	[tilespmem:s19], [sflag:$0x2] =	stream.indirect.gather [hbm4b:s1+s16], $0x80, s26, s16, $0xb8;
	[tilespmem:$0x1E080] =	vst v63  }
0x44: {  	_ =	swait.ge [sflag:s20], $0x3E80  }
0x45: {  	[sflag:s20] =	ssyncset.done $0x0  }
0x46: {  	[sflag:s20] =	ssyncadd.s32 $0xFFFFC180  }
0x47: {  	[spmem:s2] =	stream.indirect.scatter.add.f32 [tilespmem:s17], [sflag:$0x3], $0x80, s22, s16, $0xb8;
	[tilespmem:$0x1E080] =	vst v63  }
0x48: {  	_ =	swait.ge [sflag:s14], $0x3E80  }
0x49: {  	[sflag:s14] =	ssyncset.done $0x0  }
0x4a: {  	[sflag:s14] =	ssyncadd.s32 $0xFFFFC180  }
0x4b: {  	_ =	swait.ge [sflag:s21], $0x3E80  }
0x4c: {  	[sflag:s21] =	ssyncset.done $0x0  }
0x4d: {  	[sflag:s21] =	ssyncadd.s32 $0xFFFFC180  }
0x4e: {  	[spmem:s2] =	stream.indirect.scatter.add.f32 [tilespmem:s19], [sflag:$0x3], $0x80, s23, s16, $0xb8;
	[tilespmem:$0x1E080] =	vst v63  }
0x4f: {  	_ =	swait.ge [sflag:s14], $0x3E80  }
0x50: {  	[sflag:s14] =	ssyncset.done $0x0  }
0x51: {  	s25 =	simm.s32 $0x0;
	[sflag:s14] =	ssyncadd.s32 $0xFFFFC180  }
0x52: {  	[tilespmem:s25], [sflag:$0x3] =	stream.linear.gather [hbm4b:s11+s25], $0x1400, $0x38;
	[tilespmem:$0x1E080] =	vst v63  }
0x53: {  	_ =	swait.ge [sflag:s14], $0x1400  }
0x54: {  	[sflag:s14] =	ssyncset.done $0x0  }
0x55: {  	[sflag:s14] =	ssyncadd.s32 $0xFFFFEC00  }
0x56: {  	[tilespmem:s15], [sflag:$0x3] =	stream.linear.gather [hbm4b:s12+s25], $0x1400, $0x38;
	[tilespmem:$0x1E080] =	vst v63  }
0x57: {  	_ =	swait.ge [sflag:s14], $0x1400  }
0x58: {  	[sflag:s14] =	ssyncset.done $0x0  }
0x59: {  	[sflag:s14] =	ssyncadd.s32 $0xFFFFEC00  }
0x5a: {  	[tilespmem:s17], [sflag:$0x1] =	stream.indirect.gather [hbm4b:s1+s16], $0x80, s25, s16, $0xb8;
	[tilespmem:$0x1E080] =	vst v63  }
0x5b: {  	_ = 	snop  }
0x5c: {  	[tilespmem:s19], [sflag:$0x2] =	stream.indirect.gather [hbm4b:s1+s16], $0x80, s18, s16, $0xb8;
	[tilespmem:$0x1E080] =	vst v63  }
0x5d: {  	_ =	swait.ge [sflag:s20], $0x3E80  }
0x5e: {  	[sflag:s20] =	ssyncset.done $0x0  }
0x5f: {  	s29 =	simm.s32 $0x1400;
	[sflag:s20] =	ssyncadd.s32 $0xFFFFC180  }
0x60: {  	[spmem:s2] =	stream.indirect.scatter.add.f32 [tilespmem:s17], [sflag:$0x3], $0x80, s29, s16, $0xb8;
	[tilespmem:$0x1E080] =	vst v63  }
0x61: {  	_ =	swait.ge [sflag:s14], $0x3E80  }
0x62: {  	[sflag:s14] =	ssyncset.done $0x0  }
0x63: {  	s30 =	simm.s32 $0x100;
	[sflag:s14] =	ssyncadd.s32 $0xFFFFC180  }
0x64: {  	[tilespmem:s17], [sflag:$0x1] =	stream.indirect.gather [hbm4b:s1+s16], $0x80, s30, s16, $0xb8;
	[tilespmem:$0x1E080] =	vst v63  }
0x65: {  	_ =	swait.ge [sflag:s21], $0x3E80  }
0x66: {  	[sflag:s21] =	ssyncset.done $0x0  }
0x67: {  	s31 =	simm.s32 $0x1480;
	[sflag:s21] =	ssyncadd.s32 $0xFFFFC180  }
0x68: {  	[spmem:s2] =	stream.indirect.scatter.add.f32 [tilespmem:s19], [sflag:$0x3], $0x80, s31, s16, $0xb8;
	[tilespmem:$0x1E080] =	vst v63  }
0x69: {  	_ =	swait.ge [sflag:s14], $0x3E80  }
0x6a: {  	[sflag:s14] =	ssyncset.done $0x0  }
0x6b: {  	s26 =	simm.s32 $0x180;
	s25 =	simm.s32 $0x400;
	[sflag:s14] =	ssyncadd.s32 $0xFFFFC180  }
.LBB2_4:
0x6c: {  	[tilespmem:s19], [sflag:$0x2] =	stream.indirect.gather [hbm4b:s1+s16], $0x80, s26, s16, $0xb8;
	[tilespmem:$0x1E080] =	vst v63  }
0x6d: {  	s26 =	smov.u32 s25  }
0x6e: {  	p0 =	sne.s32 s25, $0x4800;
	s25 =	sadd.s32 $0x400, s25;
	_ =	swait.ge [sflag:s20], $0x3E80  }
0x6f: {  	s26 =	sshra.s32 s26, $0x2;
	[sflag:s20] =	ssyncset.done $0x0  }
0x70: {  	s28 =	sadd.s32 $0x1400, s26;
	[sflag:s20] =	ssyncadd.s32 $0xFFFFC180  }
0x71: {  	[spmem:s2] =	stream.indirect.scatter.add.f32 [tilespmem:s17], [sflag:$0x3], $0x80, s28, s16, $0xb8;
	[tilespmem:$0x1E080] =	vst v63  }
0x72: {  	_ =	swait.ge [sflag:s14], $0x3E80  }
0x73: {  	[sflag:s14] =	ssyncset.done $0x0  }
0x74: {  	s28 =	sadd.s32 $0x100, s26;
	[sflag:s14] =	ssyncadd.s32 $0xFFFFC180  }
0x75: {  	[tilespmem:s17], [sflag:$0x1] =	stream.indirect.gather [hbm4b:s1+s16], $0x80, s28, s16, $0xb8;
	[tilespmem:$0x1E080] =	vst v63  }
0x76: {  	_ =	swait.ge [sflag:s21], $0x3E80  }
0x77: {  	[sflag:s21] =	ssyncset.done $0x0  }
.Ltmp1:
0x78: {  	s28 =	sadd.s32 $0x1480, s26;
	[sflag:s21] =	ssyncadd.s32 $0xFFFFC180;
	(pc) =	sbr.rel @p0 .LBB2_4-.Ltmp1, $4  }
0x79: {  	[spmem:s2] =	stream.indirect.scatter.add.f32 [tilespmem:s19], [sflag:$0x3], $0x80, s28, s16, $0xb8;
	[tilespmem:$0x1E080] =	vst v63  }
0x7a: {  	_ =	swait.ge [sflag:s14], $0x3E80  }
0x7b: {  	[sflag:s14] =	ssyncset.done $0x0  }
0x7c: {  	s26 =	sadd.s32 $0x180, s26;
	[sflag:s14] =	ssyncadd.s32 $0xFFFFC180  }
0x7d: {  	[tilespmem:s19], [sflag:$0x2] =	stream.indirect.gather [hbm4b:s1+s16], $0x80, s26, s16, $0xb8;
	[tilespmem:$0x1E080] =	vst v63  }
0x7e: {  	_ =	swait.ge [sflag:s20], $0x3E80  }
0x7f: {  	[sflag:s20] =	ssyncset.done $0x0  }
0x80: {  	[sflag:s20] =	ssyncadd.s32 $0xFFFFC180  }
0x81: {  	[spmem:s2] =	stream.indirect.scatter.add.f32 [tilespmem:s17], [sflag:$0x3], $0x80, s22, s16, $0xb8;
	[tilespmem:$0x1E080] =	vst v63  }
0x82: {  	_ =	swait.ge [sflag:s14], $0x3E80  }
0x83: {  	[sflag:s14] =	ssyncset.done $0x0  }
0x84: {  	[sflag:s14] =	ssyncadd.s32 $0xFFFFC180  }
0x85: {  	_ =	swait.ge [sflag:s21], $0x3E80  }
0x86: {  	[sflag:s21] =	ssyncset.done $0x0  }
0x87: {  	[sflag:s21] =	ssyncadd.s32 $0xFFFFC180  }
0x88: {  	[spmem:s2] =	stream.indirect.scatter.add.f32 [tilespmem:s19], [sflag:$0x3], $0x80, s23, s16, $0xb8;
	[tilespmem:$0x1E080] =	vst v63  }
0x89: {  	_ =	swait.ge [sflag:s14], $0x3E80  }
0x8a: {  	s24 =	sadd.s32 $0x1, s24;
	[sflag:s14] =	ssyncset.done $0x0  }
0x8b: {  	p0 =	sne.s32 s24, s8;
	[sflag:s14] =	ssyncadd.s32 $0xFFFFC180  }
.Ltmp2:
0x8c: {  	[bflag:$0x0] =	sbarrier.arrive $0xFFFF;
	(pc) =	sbr.rel @p0 .LBB2_1-.Ltmp2, $4  }
0x8d: {  	[hbm:s7], [sflag:s6] =	dma.local [spmem:s13], $0x2710  }
0x8e: {  	_ =	swait.ge [sflag:s14], $0x2710  }
0x8f: {  	[sflag:s14] =	ssyncset.done $0x0  }
0x90: {  	[sflag:s14] =	ssyncadd.s32 $0xFFFFD8F0  }
0x91: {  	_ =	sfence.sel $0x180000  }
0x92: {  	[bflag:$0x0] =	sbarrier.arrive $0xFFFF  }
0x93: {  	p0 =	sne.s32 s3, $0x0;
	_ =	strace $0x9000004A  }
0x94: {  	s0 =	sadd.s32 @!p0 $0x100000, s0;
	[bflag:$0x2] =	sbarrier.arrive $0xFFFF  }
0x95: {  	[sflag:s0] =	ssyncadd.tile.s32 @!p0 $0x1;
	_ =	shalt  }
.Lfunc_end2:
_tile_overlayer_lowered:
.L_overlay_start_2:
0x96: {  	(tag) =	ssettag $0x2  }
0x97: {  	s0 =	rddreg [dreg:$0x0];
	s2 =	stileid.u32  }
0x98: {  	s1 =	rddreg [dreg:$0x1];
	p0 =	sne.s32 s2, $0x0  }
0x99: {  	s3 =	rddreg [dreg:$0x2];
	[bflag:$0x3] =	sbarrier.arrive $0xFFFF;
	s2 =	simm.s32 @!p0 $0x1C03  }
0x9a: {  	[timem:s3], [sflag:s2] =	dma.local @!p0 [hbm:s0], s1  }
0x9b: {  	s0 =	simm.s32 @!p0 $0x3  }
0x9c: {  	_ =	swait.ge @!p0 [sflag:s0], s1  }
0x9d: {  	s1 =	ssub.s32 @!p0 $0x0, s1;
	[sflag:s0] =	ssyncset.done @!p0 $0x0  }
0x9e: {  	[sflag:s0] =	ssyncadd.s32 @!p0 s1  }
0x9f: {  	[bflag:$0x3] =	sbarrier.arrive $0xFFFF  }
0xa0: {  	_ =	shalt  }

</sc_bundles>
